<compile_context>
chip_gen: v7x
topology: tpu7x:2x2x1
jax: 0.10.2.dev20260603
libtpu: 0.0.44.dev20260713+nightly
codegen_flags: <defaults>
</compile_context>

<pallas_src>
import jax
import jax.numpy as jnp
from jax import lax
from jax.experimental import pallas as pl
from jax.experimental.pallas import tpu as pltpu
from jax.experimental.pallas import tpu_sc as plsc

N = 10000
M = 320000
DF = 128
DE = 16
DM = 32

NC = 2
NS = 16
NW = NC * NS
EB = 80
KB = M // (NW * EB)
ZR = 624
ZREM = N - NS * ZR



def _sc_body(a_hbm, b_hbm, e_hbm, idx_hbm, out_hbm,
             src_buf, dst_buf, a_buf, b_buf, e_buf, m_buf, zbuf, s_shared,
             sem_in0, sem_in1, sem_s0, sem_s1):
    c = lax.axis_index("c")
    s = lax.axis_index("s")
    w = c * NS + s
    row0 = w * KB

    sems_in = (sem_in0, sem_in1)
    sems_s = (sem_s0, sem_s1)

    pltpu.sync_copy(idx_hbm.at[0, pl.ds(w * KB * EB, KB * EB)], src_buf)
    pltpu.sync_copy(idx_hbm.at[1, pl.ds(w * KB * EB, KB * EB)], dst_buf)

    zeros16 = jnp.zeros((16,), jnp.float32)

    def _zero_fill(i, _):
        zbuf[i, pl.ds(0, 16)] = zeros16
        zbuf[i, pl.ds(16, 16)] = zeros16
        return 0

    lax.fori_loop(0, ZR // 3, _zero_fill, 0)

    def _zero_copy(k, _):
        pltpu.sync_copy(zbuf, s_shared.at[pl.ds(s * ZR + k * (ZR // 3), ZR // 3)])
        return 0

    lax.fori_loop(0, 3, _zero_copy, 0)

    @pl.when(s == 0)
    def _zero_rem():
        pltpu.sync_copy(zbuf.at[pl.ds(0, ZREM)],
                        s_shared.at[pl.ds(NS * ZR, ZREM)])

    plsc.subcore_barrier()

    def _prefetch(j, b):
        erow = (row0 + j) * EB
        pltpu.async_copy(e_hbm.at[pl.ds(erow, EB)], e_buf.at[b], sems_in[b])
        pltpu.async_copy(a_hbm.at[src_buf.at[pl.ds(j * EB, EB)]], a_buf.at[b],
                         sems_in[b])
        pltpu.async_copy(b_hbm.at[dst_buf.at[pl.ds(j * EB, EB)]], b_buf.at[b],
                         sems_in[b])

    def _drain_in(b):
        pltpu.make_async_copy(e_hbm.at[pl.ds(0, EB)], e_buf.at[b], sems_in[b]).wait()
        pltpu.make_async_copy(e_hbm.at[pl.ds(0, EB)], a_buf.at[b], sems_in[b]).wait()
        pltpu.make_async_copy(e_hbm.at[pl.ds(0, EB)], b_buf.at[b], sems_in[b]).wait()

    def _drain_s(b):
        pltpu.make_async_copy(e_hbm.at[pl.ds(0, EB)], m_buf.at[b], sems_s[b]).wait()

    def _compute(b):
        @plsc.parallel_loop(0, EB, 1, unroll=8)
        def _rows(r):
            for h in range(DM // 16):
                sl = pl.ds(h * 16, 16)
                v = a_buf[b, r, sl] + b_buf[b, r, sl] + e_buf[b, r, sl]
                m_buf[b, r, sl] = jnp.maximum(v, 0.0)

    _prefetch(0, 0)
    _prefetch(1, 1)

    @pl.loop(0, KB - 1, step=2)
    def _round(j0):
        for b in range(2):
            j = j0 + b
            _drain_in(b)

            @pl.when(j >= 2)
            def _w1():
                _drain_s(b)

            _compute(b)
            pltpu.async_copy(m_buf.at[b],
                             s_shared.at[src_buf.at[pl.ds(j * EB, EB)]],
                             sems_s[b], add=True)

            @pl.when(j + 2 < KB)
            def _w2():
                _prefetch(j + 2, b)

    jl = KB - 1
    _drain_in(0)
    _drain_s(0)
    _compute(0)
    pltpu.async_copy(m_buf.at[0],
                     s_shared.at[src_buf.at[pl.ds(jl * EB, EB)]], sems_s[0],
                     add=True)
    _drain_s(0)
    _drain_s(1)

    plsc.subcore_barrier()
    pltpu.sync_copy(s_shared.at[pl.ds(s * ZR, ZR)],
                    out_hbm.at[c, pl.ds(s * ZR, ZR)])

    @pl.when(s == 0)
    def _write_rem():
        pltpu.sync_copy(s_shared.at[pl.ds(NS * ZR, ZREM)],
                        out_hbm.at[c, pl.ds(NS * ZR, ZREM)])


_SC_CACHE = {}


def _sc_scatter_fn():
    if "k" not in _SC_CACHE:
        _SC_CACHE["k"] = pl.kernel(
            _sc_body,
            out_type=jax.ShapeDtypeStruct((NC, N, DM), jnp.float32),
            mesh=plsc.VectorSubcoreMesh(core_axis_name="c",
                                        subcore_axis_name="s",
                                        num_cores=NC, num_subcores=NS),
            scratch_types=[
                pltpu.VMEM((KB * EB,), jnp.int32),
                pltpu.VMEM((KB * EB,), jnp.int32),
                pltpu.VMEM((2, EB, DM), jnp.float32),
                pltpu.VMEM((2, EB, DM), jnp.float32),
                pltpu.VMEM((2, EB, DM), jnp.float32),
                pltpu.VMEM((2, EB, DM), jnp.float32),
                pltpu.VMEM((ZR // 3, DM), jnp.float32),
                pltpu.VMEM_SHARED((N, DM), jnp.float32),
                pltpu.SemaphoreType.DMA,
                pltpu.SemaphoreType.DMA,
                pltpu.SemaphoreType.DMA,
                pltpu.SemaphoreType.DMA,
            ],
            compiler_params=pltpu.CompilerParams(use_tc_tiling_on_sc=False),
        )
    return _SC_CACHE["k"]



def _ab_body(x_ref, w_ref, oa_ref, ob_ref):
    p = jnp.dot(x_ref[...], w_ref[...], preferred_element_type=jnp.float32)
    oa_ref[...] = p[:, :DM]
    ob_ref[...] = p[:, DM:]


def _ab_call(x, w_cat):
    rb = 5000
    return pl.pallas_call(
        _ab_body,
        grid=(N // rb,),
        in_specs=[pl.BlockSpec((rb, DF), lambda i: (i, 0)),
                  pl.BlockSpec((DF, 2 * DM), lambda i: (0, 0))],
        out_specs=[pl.BlockSpec((rb, DM), lambda i: (i, 0)),
                   pl.BlockSpec((rb, DM), lambda i: (i, 0))],
        out_shape=[jax.ShapeDtypeStruct((N, DM), jnp.float32)] * 2,
    )(x, w_cat)


_EC = 6400


def _e_body(eft_ref, w_ref, b_ref, o_ref):
    p = lax.dot_general(eft_ref[...], w_ref[...],
                        (((0,), (0,)), ((), ())),
                        preferred_element_type=jnp.float32)
    p = p + b_ref[...]
    p3 = p.reshape(_EC // 8, 8, DM)
    for k in range(8):
        o_ref[:, k * DM:(k + 1) * DM] = p3[:, k, :]


def _e_call(eft, w_e, b_e):
    rows = M // 8
    return pl.pallas_call(
        _e_body,
        grid=(M // _EC,),
        in_specs=[pl.BlockSpec((DE, _EC), lambda i: (0, i)),
                  pl.BlockSpec((DE, DM), lambda i: (0, 0)),
                  pl.BlockSpec((1, DM), lambda i: (0, 0))],
        out_specs=pl.BlockSpec((_EC // 8, 8 * DM), lambda i: (i, 0)),
        out_shape=jax.ShapeDtypeStruct((rows, 8 * DM), jnp.float32),
    )(eft, w_e, b_e)


def _post_body(x_ref, s_ref, wx_ref, ws_ref, b_ref, o_ref):
    ssum = s_ref[0] + s_ref[1]
    acc = jnp.dot(x_ref[...], wx_ref[...], preferred_element_type=jnp.float32)
    acc = acc + jnp.dot(ssum, ws_ref[...], preferred_element_type=jnp.float32)
    o_ref[...] = jnp.maximum(acc + b_ref[...], 0.0)


def _post_call(x, s2, w_x, w_s, b_n):
    rb = 2000
    return pl.pallas_call(
        _post_body,
        grid=(N // rb,),
        in_specs=[pl.BlockSpec((rb, DF), lambda i: (i, 0)),
                  pl.BlockSpec((NC, rb, DM), lambda i: (0, i, 0)),
                  pl.BlockSpec((DF, DF), lambda i: (0, 0)),
                  pl.BlockSpec((DM, DF), lambda i: (0, 0)),
                  pl.BlockSpec((1, DF), lambda i: (0, 0))],
        out_specs=pl.BlockSpec((rb, DF), lambda i: (i, 0)),
        out_shape=jax.ShapeDtypeStruct((N, DF), jnp.float32),
    )(x, s2, w_x, w_s, b_n)



def kernel(node_features, edge_node_indices, edge_features,
           W_edge, b_edge, W_node, b_node):
    idx = edge_node_indices.astype(jnp.int32)
    w_cat = jnp.concatenate([W_edge[:DF], W_edge[DF:2 * DF]], axis=1)
    a, b = _ab_call(node_features, w_cat)
    e8 = _e_call(edge_features.T, W_edge[2 * DF:], b_edge.reshape(1, DM))
    s2 = _sc_scatter_fn()(a, b, e8.reshape(M, DM), idx)
    return _post_call(node_features, s2, W_node[:DF], W_node[DF:],
                      b_node.reshape(1, DF))

# --- scband reference (transcript-rebuilt; emitter-appended) ---
"""Pipeline reference for scband-naive-convolutional-layer-72026601554521 (READ-ONLY COPY).

The authoritative reference and input builder live on the scoring server;
editing this copy changes nothing except your own understanding.
"""

import jax, jax.numpy as jnp
import numpy as np

N_NODES = 10000
N_EDGES = 320000
D_FEAT = 128
D_EDGE = 16
MSG_SIZE = 32
EDGE_IN = 2 * D_FEAT + D_EDGE
NODE_IN = D_FEAT + MSG_SIZE


def setup_inputs(seed: int = 0) -> dict:
    key = jax.random.key(seed)
    k1, k2, k3, k4, k5, k6, k7 = jax.random.split(key, 7)
    node_features = jax.random.normal(k1, (N_NODES, D_FEAT), dtype=jnp.float32)
    edge_node_indices = jax.random.randint(k2, (2, N_EDGES), 0, N_NODES, dtype=jnp.int64 if jax.config.jax_enable_x64 else jnp.int32)
    edge_features = jax.random.normal(k3, (N_EDGES, D_EDGE), dtype=jnp.float32)
    # parameters (Linear weights stored as [in, out] for x @ W + b)
    lim_e = 1.0 / np.sqrt(EDGE_IN)
    W_edge = jax.random.uniform(k4, (EDGE_IN, MSG_SIZE), dtype=jnp.float32, minval=-lim_e, maxval=lim_e)
    b_edge = jax.random.uniform(k5, (MSG_SIZE,), dtype=jnp.float32, minval=-lim_e, maxval=lim_e)
    lim_n = 1.0 / np.sqrt(NODE_IN)
    W_node = jax.random.uniform(k6, (NODE_IN, D_FEAT), dtype=jnp.float32, minval=-lim_n, maxval=lim_n)
    b_node = jax.random.uniform(k7, (D_FEAT,), dtype=jnp.float32, minval=-lim_n, maxval=lim_n)
    return {
        "node_features": node_features,
        "edge_node_indices": edge_node_indices,
        "edge_features": edge_features,
        "W_edge": W_edge,
        "b_edge": b_edge,
        "W_node": W_node,
        "b_node": b_node,
    }


def reference(node_features, edge_node_indices, edge_features, W_edge, b_edge, W_node, b_node):
    node0_indices = edge_node_indices[0]
    node1_indices = edge_node_indices[1]
    node0_features = jnp.take(node_features, node0_indices, axis=0)
    node1_features = jnp.take(node_features, node1_indices, axis=0)
    message_input = jnp.concatenate([node0_features, node1_features, edge_features], axis=1)
    messages_per_neighbour = jax.nn.relu(message_input @ W_edge + b_edge)
    message_sums_per_node = jnp.zeros((node_features.shape[0], messages_per_neighbour.shape[1]), dtype=messages_per_neighbour.dtype).at[node0_indices].add(messages_per_neighbour)
    node_input = jnp.concatenate([node_features, message_sums_per_node], axis=1)
    node_output = jax.nn.relu(node_input @ W_node + b_node)
    return node_output

if __name__ == "__main__":
    import jax
    _d = setup_inputs()
    print(jax.jit(kernel)(*tuple(_d.values())))

</pallas_src>

<mosaic_0001>
#map = affine_map<(d0, d1) -> (0, 0)>
#map1 = affine_map<(d0, d1) -> (0, 0, 0)>
module attributes {stable_mosaic.version = 14 : i64} {
  func.func @_sc_body(%arg0: i32, %arg1: i32, %arg2: memref<10000x32xf32, #tpu.memory_space<hbm>>, %arg3: memref<10000x32xf32, #tpu.memory_space<hbm>>, %arg4: memref<320000x32xf32, #tpu.memory_space<hbm>>, %arg5: memref<2x320000xi32, #tpu.memory_space<hbm>>, %arg6: memref<2x10000x32xf32, #tpu.memory_space<hbm>>, %arg7: memref<10000xi32, #tpu.memory_space<vmem>>, %arg8: memref<10000xi32, #tpu.memory_space<vmem>>, %arg9: memref<2x80x32xf32, #tpu.memory_space<vmem>>, %arg10: memref<2x80x32xf32, #tpu.memory_space<vmem>>, %arg11: memref<2x80x32xf32, #tpu.memory_space<vmem>>, %arg12: memref<2x80x32xf32, #tpu.memory_space<vmem>>, %arg13: memref<208x32xf32, #tpu.memory_space<vmem>>, %arg14: memref<10000x32xf32, #tpu.memory_space<vmem_shared>>, %arg15: memref<!tpu.dma_semaphore, #tpu.memory_space<semaphore_mem>>, %arg16: memref<!tpu.dma_semaphore, #tpu.memory_space<semaphore_mem>>, %arg17: memref<!tpu.dma_semaphore, #tpu.memory_space<semaphore_mem>>, %arg18: memref<!tpu.dma_semaphore, #tpu.memory_space<semaphore_mem>>) attributes {dimension_semantics = [#tpu.dimension_semantics<core_parallel>, #tpu.dimension_semantics<subcore_parallel>], iteration_bounds = array<i64: 2, 16>, scalar_prefetch = 0 : i64, scratch_operands = 12 : i64, tpu.core_type = #tpu.core_type<sc_vector_subcore>, window_params = [{transform_indices = #map}, {transform_indices = #map}, {transform_indices = #map}, {transform_indices = #map}, {transform_indices = #map1}]} {
    %mul3A = arith.constant 16 : i32
    %mul3A_0 = arith.muli %arg0, %mul3A : i32
    %add3A = arith.addi %mul3A_0, %arg1 : i32
    %mul3A_1 = arith.constant 125 : i32
    %mul3A_2 = arith.muli %add3A, %mul3A_1 : i32
    %mul3A_3 = arith.constant 125 : i32
    %mul3A_4 = arith.muli %add3A, %mul3A_3 : i32
    %mul3A_5 = arith.constant 80 : i32
    %mul3A_6 = arith.muli %mul3A_4, %mul3A_5 : i32
    %run_scoped3A = arith.constant 0 : i32
    "tpu.region"() ({
      %run_scoped3A_217 = tpu.sem_alloc : memref<!tpu.dma_semaphore, #tpu.memory_space<semaphore_mem>>
      %dma_start3A_218 = tpu.memref_slice %arg5[%run_scoped3A, %mul3A_6] : memref<2x320000xi32, #tpu.memory_space<hbm>> -> memref<1x10000xi32, #tpu.memory_space<hbm>>
      %dma_start3A_219 = tpu.memref_squeeze %dma_start3A_218 : memref<1x10000xi32, #tpu.memory_space<hbm>> -> memref<10000xi32, #tpu.memory_space<hbm>>
      %dma_start3A_220 = tpu.memref_slice %arg5[%run_scoped3A, %mul3A_6] : memref<2x320000xi32, #tpu.memory_space<hbm>> -> memref<1x10000xi32, #tpu.memory_space<hbm>>
      %dma_start3A_221 = tpu.memref_squeeze %dma_start3A_220 : memref<1x10000xi32, #tpu.memory_space<hbm>> -> memref<10000xi32, #tpu.memory_space<hbm>>
      tpu.enqueue_dma source(%dma_start3A_221 : memref<10000xi32, #tpu.memory_space<hbm>>) target(%arg7 : memref<10000xi32, #tpu.memory_space<vmem>>) target_semaphore(%run_scoped3A_217 : memref<!tpu.dma_semaphore, #tpu.memory_space<semaphore_mem>>)
      %dma_wait3A_222 = tpu.memref_slice %arg5[%run_scoped3A, %mul3A_6] : memref<2x320000xi32, #tpu.memory_space<hbm>> -> memref<1x10000xi32, #tpu.memory_space<hbm>>
      %dma_wait3A_223 = tpu.memref_squeeze %dma_wait3A_222 : memref<1x10000xi32, #tpu.memory_space<hbm>> -> memref<10000xi32, #tpu.memory_space<hbm>>
      %dma_wait3A_224 = tpu.memref_slice %arg5[%run_scoped3A, %mul3A_6] : memref<2x320000xi32, #tpu.memory_space<hbm>> -> memref<1x10000xi32, #tpu.memory_space<hbm>>
      %dma_wait3A_225 = tpu.memref_squeeze %dma_wait3A_224 : memref<1x10000xi32, #tpu.memory_space<hbm>> -> memref<10000xi32, #tpu.memory_space<hbm>>
      tpu.wait_dma2 semaphore(%run_scoped3A_217 : memref<!tpu.dma_semaphore, #tpu.memory_space<semaphore_mem>>) src(%dma_wait3A_225 : memref<10000xi32, #tpu.memory_space<hbm>>) dst(%arg7 : memref<10000xi32, #tpu.memory_space<vmem>>)
      tpu.yield
    }) : () -> ()
    %mul3A_7 = arith.constant 125 : i32
    %mul3A_8 = arith.muli %add3A, %mul3A_7 : i32
    %mul3A_9 = arith.constant 80 : i32
    %mul3A_10 = arith.muli %mul3A_8, %mul3A_9 : i32
    %run_scoped3A_11 = arith.constant 1 : i32
    "tpu.region"() ({
      %run_scoped3A_217 = tpu.sem_alloc : memref<!tpu.dma_semaphore, #tpu.memory_space<semaphore_mem>>
      %dma_start3A_218 = tpu.memref_slice %arg5[%run_scoped3A_11, %mul3A_10] : memref<2x320000xi32, #tpu.memory_space<hbm>> -> memref<1x10000xi32, #tpu.memory_space<hbm>>
      %dma_start3A_219 = tpu.memref_squeeze %dma_start3A_218 : memref<1x10000xi32, #tpu.memory_space<hbm>> -> memref<10000xi32, #tpu.memory_space<hbm>>
      %dma_start3A_220 = tpu.memref_slice %arg5[%run_scoped3A_11, %mul3A_10] : memref<2x320000xi32, #tpu.memory_space<hbm>> -> memref<1x10000xi32, #tpu.memory_space<hbm>>
      %dma_start3A_221 = tpu.memref_squeeze %dma_start3A_220 : memref<1x10000xi32, #tpu.memory_space<hbm>> -> memref<10000xi32, #tpu.memory_space<hbm>>
      tpu.enqueue_dma source(%dma_start3A_221 : memref<10000xi32, #tpu.memory_space<hbm>>) target(%arg8 : memref<10000xi32, #tpu.memory_space<vmem>>) target_semaphore(%run_scoped3A_217 : memref<!tpu.dma_semaphore, #tpu.memory_space<semaphore_mem>>)
      %dma_wait3A_222 = tpu.memref_slice %arg5[%run_scoped3A_11, %mul3A_10] : memref<2x320000xi32, #tpu.memory_space<hbm>> -> memref<1x10000xi32, #tpu.memory_space<hbm>>
      %dma_wait3A_223 = tpu.memref_squeeze %dma_wait3A_222 : memref<1x10000xi32, #tpu.memory_space<hbm>> -> memref<10000xi32, #tpu.memory_space<hbm>>
      %dma_wait3A_224 = tpu.memref_slice %arg5[%run_scoped3A_11, %mul3A_10] : memref<2x320000xi32, #tpu.memory_space<hbm>> -> memref<1x10000xi32, #tpu.memory_space<hbm>>
      %dma_wait3A_225 = tpu.memref_squeeze %dma_wait3A_224 : memref<1x10000xi32, #tpu.memory_space<hbm>> -> memref<10000xi32, #tpu.memory_space<hbm>>
      tpu.wait_dma2 semaphore(%run_scoped3A_217 : memref<!tpu.dma_semaphore, #tpu.memory_space<semaphore_mem>>) src(%dma_wait3A_225 : memref<10000xi32, #tpu.memory_space<hbm>>) dst(%arg8 : memref<10000xi32, #tpu.memory_space<vmem>>)
      tpu.yield
    }) : () -> ()
    %broadcast_in_dim3A = arith.constant 0.000000e+00 : f32
    %broadcast_in_dim3A_12 = vector.broadcast %broadcast_in_dim3A : f32 to vector<16xf32>
    %scan3A = arith.constant 0 : i32
    %scan3A_13 = arith.constant 0 : i32
    %scan3A_14 = arith.constant 208 : i32
    %scan3A_15 = arith.addi %scan3A_13, %scan3A_14 : i32
    %scan3A_16 = arith.constant 1 : i32
    %scan3A_17 = scf.for %scan3A_217 = %scan3A_13 to %scan3A_15 step %scan3A_16 iter_args(%scan3A_218 = %scan3A) -> (i32)  : i32 {
      %swap3A = arith.index_cast %scan3A_217 : i32 to index
      %swap3A_219 = arith.constant 0 : index
      %swap3A_220 = tpu.vector_load %arg13[%swap3A, %swap3A_219] {strides = array<i32>} : memref<208x32xf32, #tpu.memory_space<vmem>>, vector<1x16xf32>,
      %swap3A_221 = vector.shape_cast %swap3A_220 : vector<1x16xf32> to vector<16xf32>
      %swap3A_222 = vector.shape_cast %broadcast_in_dim3A_12 : vector<16xf32> to vector<1x16xf32>
      tpu.vector_store %arg13[%swap3A, %swap3A_219], %swap3A_222 {strides = array<i32>} : memref<208x32xf32, #tpu.memory_space<vmem>>, vector<1x16xf32>,
      %swap3A_223 = arith.index_cast %scan3A_217 : i32 to index
      %swap3A_224 = arith.constant 16 : index
      %swap3A_225 = tpu.vector_load %arg13[%swap3A_223, %swap3A_224] {strides = array<i32>} : memref<208x32xf32, #tpu.memory_space<vmem>>, vector<1x16xf32>,
      %swap3A_226 = vector.shape_cast %swap3A_225 : vector<1x16xf32> to vector<16xf32>
      %swap3A_227 = vector.shape_cast %broadcast_in_dim3A_12 : vector<16xf32> to vector<1x16xf32>
      tpu.vector_store %arg13[%swap3A_223, %swap3A_224], %swap3A_227 {strides = array<i32>} : memref<208x32xf32, #tpu.memory_space<vmem>>, vector<1x16xf32>,
      %scan3A_228 = arith.constant 0 : i32
      scf.yield %scan3A_228 : i32
    }
    %scan3A_18 = arith.constant 208 : i32
    %scan3A_19 = arith.constant 0 : i32
    %scan3A_20 = arith.constant 0 : i32
    %scan3A_21 = arith.constant 3 : i32
    %scan3A_22 = arith.addi %scan3A_20, %scan3A_21 : i32
    %scan3A_23 = arith.constant 1 : i32
    %scan3A_24 = scf.for %scan3A_217 = %scan3A_20 to %scan3A_22 step %scan3A_23 iter_args(%scan3A_218 = %scan3A_19) -> (i32)  : i32 {
      %mul3A_219 = arith.constant 624 : i32
      %mul3A_220 = arith.muli %arg1, %mul3A_219 : i32
      %mul3A_221 = arith.constant 208 : i32
      %mul3A_222 = arith.muli %scan3A_217, %mul3A_221 : i32
      %add3A_223 = arith.addi %mul3A_220, %mul3A_222 : i32
      "tpu.region"() ({
        %run_scoped3A_225 = tpu.sem_alloc : memref<!tpu.dma_semaphore, #tpu.memory_space<semaphore_mem>>
        %dma_start3A_226 = arith.constant 0 : i32
        %dma_start3A_227 = tpu.memref_slice %arg14[%add3A_223, %dma_start3A_226] : memref<10000x32xf32, #tpu.memory_space<vmem_shared>> -> memref<208x32xf32, #tpu.memory_space<vmem_shared>>
        %dma_start3A_228 = arith.constant 0 : i32
        %dma_start3A_229 = tpu.memref_slice %arg14[%add3A_223, %dma_start3A_228] : memref<10000x32xf32, #tpu.memory_space<vmem_shared>> -> memref<208x32xf32, #tpu.memory_space<vmem_shared>>
        tpu.enqueue_dma source(%arg13 : memref<208x32xf32, #tpu.memory_space<vmem>>) target(%dma_start3A_229 : memref<208x32xf32, #tpu.memory_space<vmem_shared>>) target_semaphore(%run_scoped3A_225 : memref<!tpu.dma_semaphore, #tpu.memory_space<semaphore_mem>>)
        %dma_wait3A_230 = arith.constant 0 : i32
        %dma_wait3A_231 = tpu.memref_slice %arg14[%add3A_223, %dma_wait3A_230] : memref<10000x32xf32, #tpu.memory_space<vmem_shared>> -> memref<208x32xf32, #tpu.memory_space<vmem_shared>>
        %dma_wait3A_232 = arith.constant 0 : i32
        %dma_wait3A_233 = tpu.memref_slice %arg14[%add3A_223, %dma_wait3A_232] : memref<10000x32xf32, #tpu.memory_space<vmem_shared>> -> memref<208x32xf32, #tpu.memory_space<vmem_shared>>
        tpu.wait_dma2 semaphore(%run_scoped3A_225 : memref<!tpu.dma_semaphore, #tpu.memory_space<semaphore_mem>>) src(%arg13 : memref<208x32xf32, #tpu.memory_space<vmem>>) dst(%dma_wait3A_233 : memref<208x32xf32, #tpu.memory_space<vmem_shared>>)
        tpu.yield
      }) : () -> ()
      %scan3A_224 = arith.constant 0 : i32
      scf.yield %scan3A_224 : i32
    }
    %scan3A_25 = arith.constant 3 : i32
    %eq3A = arith.constant 0 : i32
    %eq3A_26 = arith.cmpi eq, %arg1, %eq3A : i32
    %convert_element_type3A = arith.extui %eq3A_26 : i1 to i32
    %cond3A = arith.constant 0 : i32
    %cond3A_27 = arith.cmpi ne, %convert_element_type3A, %cond3A : i32
    scf.if %cond3A_27 {
      "tpu.region"() ({
        %run_scoped3A_217 = tpu.sem_alloc : memref<!tpu.dma_semaphore, #tpu.memory_space<semaphore_mem>>
        %dma_start3A_218 = arith.constant 0 : i32
        %dma_start3A_219 = arith.constant 0 : i32
        %dma_start3A_220 = tpu.memref_slice %arg13[%dma_start3A_218, %dma_start3A_219] : memref<208x32xf32, #tpu.memory_space<vmem>> -> memref<16x32xf32, #tpu.memory_space<vmem>>
        %dma_start3A_221 = arith.constant 9984 : i32
        %dma_start3A_222 = arith.constant 0 : i32
        %dma_start3A_223 = tpu.memref_slice %arg14[%dma_start3A_221, %dma_start3A_222] : memref<10000x32xf32, #tpu.memory_space<vmem_shared>> -> memref<16x32xf32, #tpu.memory_space<vmem_shared>>
        %dma_start3A_224 = arith.constant 9984 : i32
        %dma_start3A_225 = arith.constant 0 : i32
        %dma_start3A_226 = tpu.memref_slice %arg14[%dma_start3A_224, %dma_start3A_225] : memref<10000x32xf32, #tpu.memory_space<vmem_shared>> -> memref<16x32xf32, #tpu.memory_space<vmem_shared>>
        %dma_start3A_227 = arith.constant 0 : i32
        %dma_start3A_228 = arith.constant 0 : i32
        %dma_start3A_229 = tpu.memref_slice %arg13[%dma_start3A_227, %dma_start3A_228] : memref<208x32xf32, #tpu.memory_space<vmem>> -> memref<16x32xf32, #tpu.memory_space<vmem>>
        tpu.enqueue_dma source(%dma_start3A_229 : memref<16x32xf32, #tpu.memory_space<vmem>>) target(%dma_start3A_226 : memref<16x32xf32, #tpu.memory_space<vmem_shared>>) target_semaphore(%run_scoped3A_217 : memref<!tpu.dma_semaphore, #tpu.memory_space<semaphore_mem>>)
        %dma_wait3A_230 = arith.constant 0 : i32
        %dma_wait3A_231 = arith.constant 0 : i32
        %dma_wait3A_232 = tpu.memref_slice %arg13[%dma_wait3A_230, %dma_wait3A_231] : memref<208x32xf32, #tpu.memory_space<vmem>> -> memref<16x32xf32, #tpu.memory_space<vmem>>
        %dma_wait3A_233 = arith.constant 9984 : i32
        %dma_wait3A_234 = arith.constant 0 : i32
        %dma_wait3A_235 = tpu.memref_slice %arg14[%dma_wait3A_233, %dma_wait3A_234] : memref<10000x32xf32, #tpu.memory_space<vmem_shared>> -> memref<16x32xf32, #tpu.memory_space<vmem_shared>>
        %dma_wait3A_236 = arith.constant 9984 : i32
        %dma_wait3A_237 = arith.constant 0 : i32
        %dma_wait3A_238 = tpu.memref_slice %arg14[%dma_wait3A_236, %dma_wait3A_237] : memref<10000x32xf32, #tpu.memory_space<vmem_shared>> -> memref<16x32xf32, #tpu.memory_space<vmem_shared>>
        %dma_wait3A_239 = arith.constant 0 : i32
        %dma_wait3A_240 = arith.constant 0 : i32
        %dma_wait3A_241 = tpu.memref_slice %arg13[%dma_wait3A_239, %dma_wait3A_240] : memref<208x32xf32, #tpu.memory_space<vmem>> -> memref<16x32xf32, #tpu.memory_space<vmem>>
        tpu.wait_dma2 semaphore(%run_scoped3A_217 : memref<!tpu.dma_semaphore, #tpu.memory_space<semaphore_mem>>) src(%dma_wait3A_241 : memref<16x32xf32, #tpu.memory_space<vmem>>) dst(%dma_wait3A_238 : memref<16x32xf32, #tpu.memory_space<vmem_shared>>)
        tpu.yield
      }) : () -> ()
    } else {
    }
    %barrier3A = arith.constant 0 : index
    tpu.barrier barrier_id(%barrier3A)
    %add3A_28 = arith.constant 0 : i32
    %add3A_29 = arith.addi %mul3A_2, %add3A_28 : i32
    %mul3A_30 = arith.constant 80 : i32
    %mul3A_31 = arith.muli %add3A_29, %mul3A_30 : i32
    %dma_start3A = arith.constant 0 : i32
    %dma_start3A_32 = arith.constant 0 : i32
    %dma_start3A_33 = arith.constant 0 : i32
    %dma_start3A_34 = tpu.memref_slice %arg11[%dma_start3A, %dma_start3A_32, %dma_start3A_33] : memref<2x80x32xf32, #tpu.memory_space<vmem>> -> memref<1x80x32xf32, #tpu.memory_space<vmem>>
    %dma_start3A_35 = tpu.memref_squeeze %dma_start3A_34 : memref<1x80x32xf32, #tpu.memory_space<vmem>> -> memref<80x32xf32, #tpu.memory_space<vmem>>
    %dma_start3A_36 = arith.constant 0 : i32
    %dma_start3A_37 = tpu.memref_slice %arg4[%mul3A_31, %dma_start3A_36] : memref<320000x32xf32, #tpu.memory_space<hbm>> -> memref<80x32xf32, #tpu.memory_space<hbm>>
    %dma_start3A_38 = arith.constant 0 : i32
    %dma_start3A_39 = arith.constant 0 : i32
    %dma_start3A_40 = tpu.memref_slice %arg11[%dma_start3A, %dma_start3A_38, %dma_start3A_39] : memref<2x80x32xf32, #tpu.memory_space<vmem>> -> memref<1x80x32xf32, #tpu.memory_space<vmem>>
    %dma_start3A_41 = tpu.memref_squeeze %dma_start3A_40 : memref<1x80x32xf32, #tpu.memory_space<vmem>> -> memref<80x32xf32, #tpu.memory_space<vmem>>
    %dma_start3A_42 = arith.constant 0 : i32
    %dma_start3A_43 = tpu.memref_slice %arg4[%mul3A_31, %dma_start3A_42] : memref<320000x32xf32, #tpu.memory_space<hbm>> -> memref<80x32xf32, #tpu.memory_space<hbm>>
    tpu.enqueue_dma source(%dma_start3A_43 : memref<80x32xf32, #tpu.memory_space<hbm>>) target(%dma_start3A_41 : memref<80x32xf32, #tpu.memory_space<vmem>>) target_semaphore(%arg15 : memref<!tpu.dma_semaphore, #tpu.memory_space<semaphore_mem>>)
    %dma_start3A_44 = arith.constant 0 : i32
    %dma_start3A_45 = arith.constant 0 : i32
    %dma_start3A_46 = arith.constant 0 : i32
    %dma_start3A_47 = tpu.memref_slice %arg9[%dma_start3A_44, %dma_start3A_45, %dma_start3A_46] : memref<2x80x32xf32, #tpu.memory_space<vmem>> -> memref<1x80x32xf32, #tpu.memory_space<vmem>>
    %dma_start3A_48 = tpu.memref_squeeze %dma_start3A_47 : memref<1x80x32xf32, #tpu.memory_space<vmem>> -> memref<80x32xf32, #tpu.memory_space<vmem>>
    %dma_start3A_49 = arith.constant 0 : i32
    %dma_start3A_50 = tpu.memref_slice %arg7[%dma_start3A_49] : memref<10000xi32, #tpu.memory_space<vmem>> -> memref<80xi32, #tpu.memory_space<vmem>>
    %dma_start3A_51 = arith.constant 0 : i32
    %dma_start3A_52 = arith.constant 0 : i32
    %dma_start3A_53 = tpu.memref_slice %arg2[%dma_start3A_51, %dma_start3A_52] : memref<10000x32xf32, #tpu.memory_space<hbm>> -> memref<10000x32xf32, #tpu.memory_space<hbm>>
    tpu.enqueue_indirect_dma source(%dma_start3A_53 : memref<10000x32xf32, #tpu.memory_space<hbm>>) target(%dma_start3A_48 : memref<80x32xf32, #tpu.memory_space<vmem>>) offsets(%dma_start3A_50 : memref<80xi32, #tpu.memory_space<vmem>>) semaphore(%arg15 : memref<!tpu.dma_semaphore, #tpu.memory_space<semaphore_mem>>)
    %dma_start3A_54 = arith.constant 0 : i32
    %dma_start3A_55 = arith.constant 0 : i32
    %dma_start3A_56 = arith.constant 0 : i32
    %dma_start3A_57 = tpu.memref_slice %arg10[%dma_start3A_54, %dma_start3A_55, %dma_start3A_56] : memref<2x80x32xf32, #tpu.memory_space<vmem>> -> memref<1x80x32xf32, #tpu.memory_space<vmem>>
    %dma_start3A_58 = tpu.memref_squeeze %dma_start3A_57 : memref<1x80x32xf32, #tpu.memory_space<vmem>> -> memref<80x32xf32, #tpu.memory_space<vmem>>
    %dma_start3A_59 = arith.constant 0 : i32
    %dma_start3A_60 = tpu.memref_slice %arg8[%dma_start3A_59] : memref<10000xi32, #tpu.memory_space<vmem>> -> memref<80xi32, #tpu.memory_space<vmem>>
    %dma_start3A_61 = arith.constant 0 : i32
    %dma_start3A_62 = arith.constant 0 : i32
    %dma_start3A_63 = tpu.memref_slice %arg3[%dma_start3A_61, %dma_start3A_62] : memref<10000x32xf32, #tpu.memory_space<hbm>> -> memref<10000x32xf32, #tpu.memory_space<hbm>>
    tpu.enqueue_indirect_dma source(%dma_start3A_63 : memref<10000x32xf32, #tpu.memory_space<hbm>>) target(%dma_start3A_58 : memref<80x32xf32, #tpu.memory_space<vmem>>) offsets(%dma_start3A_60 : memref<80xi32, #tpu.memory_space<vmem>>) semaphore(%arg15 : memref<!tpu.dma_semaphore, #tpu.memory_space<semaphore_mem>>)
    %add3A_64 = arith.constant 1 : i32
    %add3A_65 = arith.addi %mul3A_2, %add3A_64 : i32
    %mul3A_66 = arith.constant 80 : i32
    %mul3A_67 = arith.muli %add3A_65, %mul3A_66 : i32
    %dma_start3A_68 = arith.constant 1 : i32
    %dma_start3A_69 = arith.constant 0 : i32
    %dma_start3A_70 = arith.constant 0 : i32
    %dma_start3A_71 = tpu.memref_slice %arg11[%dma_start3A_68, %dma_start3A_69, %dma_start3A_70] : memref<2x80x32xf32, #tpu.memory_space<vmem>> -> memref<1x80x32xf32, #tpu.memory_space<vmem>>
    %dma_start3A_72 = tpu.memref_squeeze %dma_start3A_71 : memref<1x80x32xf32, #tpu.memory_space<vmem>> -> memref<80x32xf32, #tpu.memory_space<vmem>>
    %dma_start3A_73 = arith.constant 0 : i32
    %dma_start3A_74 = tpu.memref_slice %arg4[%mul3A_67, %dma_start3A_73] : memref<320000x32xf32, #tpu.memory_space<hbm>> -> memref<80x32xf32, #tpu.memory_space<hbm>>
    %dma_start3A_75 = arith.constant 0 : i32
    %dma_start3A_76 = arith.constant 0 : i32
    %dma_start3A_77 = tpu.memref_slice %arg11[%dma_start3A_68, %dma_start3A_75, %dma_start3A_76] : memref<2x80x32xf32, #tpu.memory_space<vmem>> -> memref<1x80x32xf32, #tpu.memory_space<vmem>>
    %dma_start3A_78 = tpu.memref_squeeze %dma_start3A_77 : memref<1x80x32xf32, #tpu.memory_space<vmem>> -> memref<80x32xf32, #tpu.memory_space<vmem>>
    %dma_start3A_79 = arith.constant 0 : i32
    %dma_start3A_80 = tpu.memref_slice %arg4[%mul3A_67, %dma_start3A_79] : memref<320000x32xf32, #tpu.memory_space<hbm>> -> memref<80x32xf32, #tpu.memory_space<hbm>>
    tpu.enqueue_dma source(%dma_start3A_80 : memref<80x32xf32, #tpu.memory_space<hbm>>) target(%dma_start3A_78 : memref<80x32xf32, #tpu.memory_space<vmem>>) target_semaphore(%arg16 : memref<!tpu.dma_semaphore, #tpu.memory_space<semaphore_mem>>)
    %dma_start3A_81 = arith.constant 1 : i32
    %dma_start3A_82 = arith.constant 0 : i32
    %dma_start3A_83 = arith.constant 0 : i32
    %dma_start3A_84 = tpu.memref_slice %arg9[%dma_start3A_81, %dma_start3A_82, %dma_start3A_83] : memref<2x80x32xf32, #tpu.memory_space<vmem>> -> memref<1x80x32xf32, #tpu.memory_space<vmem>>
    %dma_start3A_85 = tpu.memref_squeeze %dma_start3A_84 : memref<1x80x32xf32, #tpu.memory_space<vmem>> -> memref<80x32xf32, #tpu.memory_space<vmem>>
    %dma_start3A_86 = arith.constant 80 : i32
    %dma_start3A_87 = tpu.memref_slice %arg7[%dma_start3A_86] : memref<10000xi32, #tpu.memory_space<vmem>> -> memref<80xi32, #tpu.memory_space<vmem>>
    %dma_start3A_88 = arith.constant 0 : i32
    %dma_start3A_89 = arith.constant 0 : i32
    %dma_start3A_90 = tpu.memref_slice %arg2[%dma_start3A_88, %dma_start3A_89] : memref<10000x32xf32, #tpu.memory_space<hbm>> -> memref<10000x32xf32, #tpu.memory_space<hbm>>
    tpu.enqueue_indirect_dma source(%dma_start3A_90 : memref<10000x32xf32, #tpu.memory_space<hbm>>) target(%dma_start3A_85 : memref<80x32xf32, #tpu.memory_space<vmem>>) offsets(%dma_start3A_87 : memref<80xi32, #tpu.memory_space<vmem>>) semaphore(%arg16 : memref<!tpu.dma_semaphore, #tpu.memory_space<semaphore_mem>>)
    %dma_start3A_91 = arith.constant 1 : i32
    %dma_start3A_92 = arith.constant 0 : i32
    %dma_start3A_93 = arith.constant 0 : i32
    %dma_start3A_94 = tpu.memref_slice %arg10[%dma_start3A_91, %dma_start3A_92, %dma_start3A_93] : memref<2x80x32xf32, #tpu.memory_space<vmem>> -> memref<1x80x32xf32, #tpu.memory_space<vmem>>
    %dma_start3A_95 = tpu.memref_squeeze %dma_start3A_94 : memref<1x80x32xf32, #tpu.memory_space<vmem>> -> memref<80x32xf32, #tpu.memory_space<vmem>>
    %dma_start3A_96 = arith.constant 80 : i32
    %dma_start3A_97 = tpu.memref_slice %arg8[%dma_start3A_96] : memref<10000xi32, #tpu.memory_space<vmem>> -> memref<80xi32, #tpu.memory_space<vmem>>
    %dma_start3A_98 = arith.constant 0 : i32
    %dma_start3A_99 = arith.constant 0 : i32
    %dma_start3A_100 = tpu.memref_slice %arg3[%dma_start3A_98, %dma_start3A_99] : memref<10000x32xf32, #tpu.memory_space<hbm>> -> memref<10000x32xf32, #tpu.memory_space<hbm>>
    tpu.enqueue_indirect_dma source(%dma_start3A_100 : memref<10000x32xf32, #tpu.memory_space<hbm>>) target(%dma_start3A_95 : memref<80x32xf32, #tpu.memory_space<vmem>>) offsets(%dma_start3A_97 : memref<80xi32, #tpu.memory_space<vmem>>) semaphore(%arg16 : memref<!tpu.dma_semaphore, #tpu.memory_space<semaphore_mem>>)
    %scan3A_101 = arith.constant 0 : i32
    %scan3A_102 = arith.constant 62 : i32
    %scan3A_103 = arith.addi %scan3A_101, %scan3A_102 : i32
    %scan3A_104 = arith.constant 1 : i32
    scf.for %scan3A_217 = %scan3A_101 to %scan3A_103 step %scan3A_104  : i32 {
      %mul3A_218 = arith.constant 2 : i32
      %mul3A_219 = arith.muli %scan3A_217, %mul3A_218 : i32
      %add3A_220 = arith.constant 0 : i32
      %add3A_221 = arith.addi %add3A_220, %mul3A_219 : i32
      %add3A_222 = arith.constant 0 : i32
      %add3A_223 = arith.addi %add3A_221, %add3A_222 : i32
      %dma_wait3A_224 = arith.constant 0 : i32
      %dma_wait3A_225 = arith.constant 0 : i32
      %dma_wait3A_226 = arith.constant 0 : i32
      %dma_wait3A_227 = tpu.memref_slice %arg11[%dma_wait3A_224, %dma_wait3A_225, %dma_wait3A_226] : memref<2x80x32xf32, #tpu.memory_space<vmem>> -> memref<1x80x32xf32, #tpu.memory_space<vmem>>
      %dma_wait3A_228 = tpu.memref_squeeze %dma_wait3A_227 : memref<1x80x32xf32, #tpu.memory_space<vmem>> -> memref<80x32xf32, #tpu.memory_space<vmem>>
      %dma_wait3A_229 = arith.constant 0 : i32
      %dma_wait3A_230 = arith.constant 0 : i32
      %dma_wait3A_231 = tpu.memref_slice %arg4[%dma_wait3A_229, %dma_wait3A_230] : memref<320000x32xf32, #tpu.memory_space<hbm>> -> memref<80x32xf32, #tpu.memory_space<hbm>>
      %dma_wait3A_232 = arith.constant 0 : i32
      %dma_wait3A_233 = arith.constant 0 : i32
      %dma_wait3A_234 = tpu.memref_slice %arg11[%dma_wait3A_224, %dma_wait3A_232, %dma_wait3A_233] : memref<2x80x32xf32, #tpu.memory_space<vmem>> -> memref<1x80x32xf32, #tpu.memory_space<vmem>>
      %dma_wait3A_235 = tpu.memref_squeeze %dma_wait3A_234 : memref<1x80x32xf32, #tpu.memory_space<vmem>> -> memref<80x32xf32, #tpu.memory_space<vmem>>
      %dma_wait3A_236 = arith.constant 0 : i32
      %dma_wait3A_237 = arith.constant 0 : i32
      %dma_wait3A_238 = tpu.memref_slice %arg4[%dma_wait3A_236, %dma_wait3A_237] : memref<320000x32xf32, #tpu.memory_space<hbm>> -> memref<80x32xf32, #tpu.memory_space<hbm>>
      tpu.wait_dma2 semaphore(%arg15 : memref<!tpu.dma_semaphore, #tpu.memory_space<semaphore_mem>>) src(%dma_wait3A_238 : memref<80x32xf32, #tpu.memory_space<hbm>>) dst(%dma_wait3A_235 : memref<80x32xf32, #tpu.memory_space<vmem>>)
      %dma_wait3A_239 = arith.constant 0 : i32
      %dma_wait3A_240 = arith.constant 0 : i32
      %dma_wait3A_241 = arith.constant 0 : i32
      %dma_wait3A_242 = tpu.memref_slice %arg9[%dma_wait3A_239, %dma_wait3A_240, %dma_wait3A_241] : memref<2x80x32xf32, #tpu.memory_space<vmem>> -> memref<1x80x32xf32, #tpu.memory_space<vmem>>
      %dma_wait3A_243 = tpu.memref_squeeze %dma_wait3A_242 : memref<1x80x32xf32, #tpu.memory_space<vmem>> -> memref<80x32xf32, #tpu.memory_space<vmem>>
      %dma_wait3A_244 = arith.constant 0 : i32
      %dma_wait3A_245 = arith.constant 0 : i32
      %dma_wait3A_246 = tpu.memref_slice %arg4[%dma_wait3A_244, %dma_wait3A_245] : memref<320000x32xf32, #tpu.memory_space<hbm>> -> memref<80x32xf32, #tpu.memory_space<hbm>>
      %dma_wait3A_247 = arith.constant 0 : i32
      %dma_wait3A_248 = arith.constant 0 : i32
      %dma_wait3A_249 = tpu.memref_slice %arg9[%dma_wait3A_239, %dma_wait3A_247, %dma_wait3A_248] : memref<2x80x32xf32, #tpu.memory_space<vmem>> -> memref<1x80x32xf32, #tpu.memory_space<vmem>>
      %dma_wait3A_250 = tpu.memref_squeeze %dma_wait3A_249 : memref<1x80x32xf32, #tpu.memory_space<vmem>> -> memref<80x32xf32, #tpu.memory_space<vmem>>
      %dma_wait3A_251 = arith.constant 0 : i32
      %dma_wait3A_252 = arith.constant 0 : i32
      %dma_wait3A_253 = tpu.memref_slice %arg4[%dma_wait3A_251, %dma_wait3A_252] : memref<320000x32xf32, #tpu.memory_space<hbm>> -> memref<80x32xf32, #tpu.memory_space<hbm>>
      tpu.wait_dma2 semaphore(%arg15 : memref<!tpu.dma_semaphore, #tpu.memory_space<semaphore_mem>>) src(%dma_wait3A_253 : memref<80x32xf32, #tpu.memory_space<hbm>>) dst(%dma_wait3A_250 : memref<80x32xf32, #tpu.memory_space<vmem>>)
      %dma_wait3A_254 = arith.constant 0 : i32
      %dma_wait3A_255 = arith.constant 0 : i32
      %dma_wait3A_256 = arith.constant 0 : i32
      %dma_wait3A_257 = tpu.memref_slice %arg10[%dma_wait3A_254, %dma_wait3A_255, %dma_wait3A_256] : memref<2x80x32xf32, #tpu.memory_space<vmem>> -> memref<1x80x32xf32, #tpu.memory_space<vmem>>
      %dma_wait3A_258 = tpu.memref_squeeze %dma_wait3A_257 : memref<1x80x32xf32, #tpu.memory_space<vmem>> -> memref<80x32xf32, #tpu.memory_space<vmem>>
      %dma_wait3A_259 = arith.constant 0 : i32
      %dma_wait3A_260 = arith.constant 0 : i32
      %dma_wait3A_261 = tpu.memref_slice %arg4[%dma_wait3A_259, %dma_wait3A_260] : memref<320000x32xf32, #tpu.memory_space<hbm>> -> memref<80x32xf32, #tpu.memory_space<hbm>>
      %dma_wait3A_262 = arith.constant 0 : i32
      %dma_wait3A_263 = arith.constant 0 : i32
      %dma_wait3A_264 = tpu.memref_slice %arg10[%dma_wait3A_254, %dma_wait3A_262, %dma_wait3A_263] : memref<2x80x32xf32, #tpu.memory_space<vmem>> -> memref<1x80x32xf32, #tpu.memory_space<vmem>>
      %dma_wait3A_265 = tpu.memref_squeeze %dma_wait3A_264 : memref<1x80x32xf32, #tpu.memory_space<vmem>> -> memref<80x32xf32, #tpu.memory_space<vmem>>
      %dma_wait3A_266 = arith.constant 0 : i32
      %dma_wait3A_267 = arith.constant 0 : i32
      %dma_wait3A_268 = tpu.memref_slice %arg4[%dma_wait3A_266, %dma_wait3A_267] : memref<320000x32xf32, #tpu.memory_space<hbm>> -> memref<80x32xf32, #tpu.memory_space<hbm>>
      tpu.wait_dma2 semaphore(%arg15 : memref<!tpu.dma_semaphore, #tpu.memory_space<semaphore_mem>>) src(%dma_wait3A_268 : memref<80x32xf32, #tpu.memory_space<hbm>>) dst(%dma_wait3A_265 : memref<80x32xf32, #tpu.memory_space<vmem>>)
      %ge3A = arith.constant 2 : i32
      %ge3A_269 = arith.cmpi sge, %add3A_223, %ge3A : i32
      %convert_element_type3A_270 = arith.extui %ge3A_269 : i1 to i32
      %cond3A_271 = arith.constant 0 : i32
      %cond3A_272 = arith.cmpi ne, %convert_element_type3A_270, %cond3A_271 : i32
      scf.if %cond3A_272 {
        %dma_wait3A_366 = arith.constant 0 : i32
        %dma_wait3A_367 = arith.constant 0 : i32
        %dma_wait3A_368 = arith.constant 0 : i32
        %dma_wait3A_369 = tpu.memref_slice %arg12[%dma_wait3A_366, %dma_wait3A_367, %dma_wait3A_368] : memref<2x80x32xf32, #tpu.memory_space<vmem>> -> memref<1x80x32xf32, #tpu.memory_space<vmem>>
        %dma_wait3A_370 = tpu.memref_squeeze %dma_wait3A_369 : memref<1x80x32xf32, #tpu.memory_space<vmem>> -> memref<80x32xf32, #tpu.memory_space<vmem>>
        %dma_wait3A_371 = arith.constant 0 : i32
        %dma_wait3A_372 = arith.constant 0 : i32
        %dma_wait3A_373 = tpu.memref_slice %arg4[%dma_wait3A_371, %dma_wait3A_372] : memref<320000x32xf32, #tpu.memory_space<hbm>> -> memref<80x32xf32, #tpu.memory_space<hbm>>
        %dma_wait3A_374 = arith.constant 0 : i32
        %dma_wait3A_375 = arith.constant 0 : i32
        %dma_wait3A_376 = tpu.memref_slice %arg12[%dma_wait3A_366, %dma_wait3A_374, %dma_wait3A_375] : memref<2x80x32xf32, #tpu.memory_space<vmem>> -> memref<1x80x32xf32, #tpu.memory_space<vmem>>
        %dma_wait3A_377 = tpu.memref_squeeze %dma_wait3A_376 : memref<1x80x32xf32, #tpu.memory_space<vmem>> -> memref<80x32xf32, #tpu.memory_space<vmem>>
        %dma_wait3A_378 = arith.constant 0 : i32
        %dma_wait3A_379 = arith.constant 0 : i32
        %dma_wait3A_380 = tpu.memref_slice %arg4[%dma_wait3A_378, %dma_wait3A_379] : memref<320000x32xf32, #tpu.memory_space<hbm>> -> memref<80x32xf32, #tpu.memory_space<hbm>>
        tpu.wait_dma2 semaphore(%arg17 : memref<!tpu.dma_semaphore, #tpu.memory_space<semaphore_mem>>) src(%dma_wait3A_380 : memref<80x32xf32, #tpu.memory_space<hbm>>) dst(%dma_wait3A_377 : memref<80x32xf32, #tpu.memory_space<vmem>>)
      } else {
      }
      %parallel_loop3A_273 = arith.constant 0 : i32
      %parallel_loop3A_274 = arith.constant 80 : i32
      %parallel_loop3A_275 = arith.constant 1 : i32
      scf.for %parallel_loop3A_366 = %parallel_loop3A_273 to %parallel_loop3A_274 step %parallel_loop3A_275  : i32 {
        %parallel_loop3A_367 = arith.constant 0 : i32
        %parallel_loop3A_368 = arith.index_cast %parallel_loop3A_367 : i32 to index
        %parallel_loop3A_369 = arith.index_cast %parallel_loop3A_366 : i32 to index
        %parallel_loop3A_370 = arith.constant 0 : index
        %parallel_loop3A_371 = tpu.vector_load %arg9[%parallel_loop3A_368, %parallel_loop3A_369, %parallel_loop3A_370] {strides = array<i32>} : memref<2x80x32xf32, #tpu.memory_space<vmem>>, vector<1x1x16xf32>,
        %parallel_loop3A_372 = vector.shape_cast %parallel_loop3A_371 : vector<1x1x16xf32> to vector<16xf32>
        %parallel_loop3A_373 = arith.constant 0 : i32
        %parallel_loop3A_374 = arith.index_cast %parallel_loop3A_373 : i32 to index
        %parallel_loop3A_375 = arith.index_cast %parallel_loop3A_366 : i32 to index
        %parallel_loop3A_376 = arith.constant 0 : index
        %parallel_loop3A_377 = tpu.vector_load %arg10[%parallel_loop3A_374, %parallel_loop3A_375, %parallel_loop3A_376] {strides = array<i32>} : memref<2x80x32xf32, #tpu.memory_space<vmem>>, vector<1x1x16xf32>,
        %parallel_loop3A_378 = vector.shape_cast %parallel_loop3A_377 : vector<1x1x16xf32> to vector<16xf32>
        %parallel_loop3A_379 = arith.addf %parallel_loop3A_372, %parallel_loop3A_378 : vector<16xf32>
        %parallel_loop3A_380 = arith.constant 0 : i32
        %parallel_loop3A_381 = arith.index_cast %parallel_loop3A_380 : i32 to index
        %parallel_loop3A_382 = arith.index_cast %parallel_loop3A_366 : i32 to index
        %parallel_loop3A_383 = arith.constant 0 : index
        %parallel_loop3A_384 = tpu.vector_load %arg11[%parallel_loop3A_381, %parallel_loop3A_382, %parallel_loop3A_383] {strides = array<i32>} : memref<2x80x32xf32, #tpu.memory_space<vmem>>, vector<1x1x16xf32>,
        %parallel_loop3A_385 = vector.shape_cast %parallel_loop3A_384 : vector<1x1x16xf32> to vector<16xf32>
        %parallel_loop3A_386 = arith.addf %parallel_loop3A_379, %parallel_loop3A_385 : vector<16xf32>
        %parallel_loop3A_387 = arith.constant 0.000000e+00 : f32
        %parallel_loop3A_388 = vector.broadcast %parallel_loop3A_387 : f32 to vector<16xf32>
        %parallel_loop3A_389 = arith.maximumf %parallel_loop3A_386, %parallel_loop3A_388 : vector<16xf32>
        %parallel_loop3A_390 = arith.constant 0 : i32
        %parallel_loop3A_391 = arith.index_cast %parallel_loop3A_390 : i32 to index
        %parallel_loop3A_392 = arith.index_cast %parallel_loop3A_366 : i32 to index
        %parallel_loop3A_393 = arith.constant 0 : index
        %parallel_loop3A_394 = tpu.vector_load %arg12[%parallel_loop3A_391, %parallel_loop3A_392, %parallel_loop3A_393] {strides = array<i32>} : memref<2x80x32xf32, #tpu.memory_space<vmem>>, vector<1x1x16xf32>,
        %parallel_loop3A_395 = vector.shape_cast %parallel_loop3A_394 : vector<1x1x16xf32> to vector<16xf32>
        %parallel_loop3A_396 = vector.shape_cast %parallel_loop3A_389 : vector<16xf32> to vector<1x1x16xf32>
        tpu.vector_store %arg12[%parallel_loop3A_391, %parallel_loop3A_392, %parallel_loop3A_393], %parallel_loop3A_396 {strides = array<i32>} : memref<2x80x32xf32, #tpu.memory_space<vmem>>, vector<1x1x16xf32>,
        %parallel_loop3A_397 = arith.constant 0 : i32
        %parallel_loop3A_398 = arith.index_cast %parallel_loop3A_397 : i32 to index
        %parallel_loop3A_399 = arith.index_cast %parallel_loop3A_366 : i32 to index
        %parallel_loop3A_400 = arith.constant 16 : index
        %parallel_loop3A_401 = tpu.vector_load %arg9[%parallel_loop3A_398, %parallel_loop3A_399, %parallel_loop3A_400] {strides = array<i32>} : memref<2x80x32xf32, #tpu.memory_space<vmem>>, vector<1x1x16xf32>,
        %parallel_loop3A_402 = vector.shape_cast %parallel_loop3A_401 : vector<1x1x16xf32> to vector<16xf32>
        %parallel_loop3A_403 = arith.constant 0 : i32
        %parallel_loop3A_404 = arith.index_cast %parallel_loop3A_403 : i32 to index
        %parallel_loop3A_405 = arith.index_cast %parallel_loop3A_366 : i32 to index
        %parallel_loop3A_406 = arith.constant 16 : index
        %parallel_loop3A_407 = tpu.vector_load %arg10[%parallel_loop3A_404, %parallel_loop3A_405, %parallel_loop3A_406] {strides = array<i32>} : memref<2x80x32xf32, #tpu.memory_space<vmem>>, vector<1x1x16xf32>,
        %parallel_loop3A_408 = vector.shape_cast %parallel_loop3A_407 : vector<1x1x16xf32> to vector<16xf32>
        %parallel_loop3A_409 = arith.addf %parallel_loop3A_402, %parallel_loop3A_408 : vector<16xf32>
        %parallel_loop3A_410 = arith.constant 0 : i32
        %parallel_loop3A_411 = arith.index_cast %parallel_loop3A_410 : i32 to index
        %parallel_loop3A_412 = arith.index_cast %parallel_loop3A_366 : i32 to index
        %parallel_loop3A_413 = arith.constant 16 : index
        %parallel_loop3A_414 = tpu.vector_load %arg11[%parallel_loop3A_411, %parallel_loop3A_412, %parallel_loop3A_413] {strides = array<i32>} : memref<2x80x32xf32, #tpu.memory_space<vmem>>, vector<1x1x16xf32>,
        %parallel_loop3A_415 = vector.shape_cast %parallel_loop3A_414 : vector<1x1x16xf32> to vector<16xf32>
        %parallel_loop3A_416 = arith.addf %parallel_loop3A_409, %parallel_loop3A_415 : vector<16xf32>
        %parallel_loop3A_417 = arith.constant 0.000000e+00 : f32
        %parallel_loop3A_418 = vector.broadcast %parallel_loop3A_417 : f32 to vector<16xf32>
        %parallel_loop3A_419 = arith.maximumf %parallel_loop3A_416, %parallel_loop3A_418 : vector<16xf32>
        %parallel_loop3A_420 = arith.constant 0 : i32
        %parallel_loop3A_421 = arith.index_cast %parallel_loop3A_420 : i32 to index
        %parallel_loop3A_422 = arith.index_cast %parallel_loop3A_366 : i32 to index
        %parallel_loop3A_423 = arith.constant 16 : index
        %parallel_loop3A_424 = tpu.vector_load %arg12[%parallel_loop3A_421, %parallel_loop3A_422, %parallel_loop3A_423] {strides = array<i32>} : memref<2x80x32xf32, #tpu.memory_space<vmem>>, vector<1x1x16xf32>,
        %parallel_loop3A_425 = vector.shape_cast %parallel_loop3A_424 : vector<1x1x16xf32> to vector<16xf32>
        %parallel_loop3A_426 = vector.shape_cast %parallel_loop3A_419 : vector<16xf32> to vector<1x1x16xf32>
        tpu.vector_store %arg12[%parallel_loop3A_421, %parallel_loop3A_422, %parallel_loop3A_423], %parallel_loop3A_426 {strides = array<i32>} : memref<2x80x32xf32, #tpu.memory_space<vmem>>, vector<1x1x16xf32>,
      } {sc.loop_unroll_factor = 8 : i64, sc.parallel_access}
      %mul3A_276 = arith.constant 80 : i32
      %mul3A_277 = arith.muli %add3A_223, %mul3A_276 : i32
      %dma_start3A_278 = arith.constant 0 : i32
      %dma_start3A_279 = arith.constant 0 : i32
      %dma_start3A_280 = arith.constant 0 : i32
      %dma_start3A_281 = tpu.memref_slice %arg12[%dma_start3A_278, %dma_start3A_279, %dma_start3A_280] : memref<2x80x32xf32, #tpu.memory_space<vmem>> -> memref<1x80x32xf32, #tpu.memory_space<vmem>>
      %dma_start3A_282 = tpu.memref_squeeze %dma_start3A_281 : memref<1x80x32xf32, #tpu.memory_space<vmem>> -> memref<80x32xf32, #tpu.memory_space<vmem>>
      %dma_start3A_283 = tpu.memref_slice %arg7[%mul3A_277] : memref<10000xi32, #tpu.memory_space<vmem>> -> memref<80xi32, #tpu.memory_space<vmem>>
      %dma_start3A_284 = arith.constant 0 : i32
      %dma_start3A_285 = arith.constant 0 : i32
      %dma_start3A_286 = tpu.memref_slice %arg14[%dma_start3A_284, %dma_start3A_285] : memref<10000x32xf32, #tpu.memory_space<vmem_shared>> -> memref<10000x32xf32, #tpu.memory_space<vmem_shared>>
      tpu.enqueue_indirect_dma source(%dma_start3A_282 : memref<80x32xf32, #tpu.memory_space<vmem>>) target(%dma_start3A_286 : memref<10000x32xf32, #tpu.memory_space<vmem_shared>>) offsets(%dma_start3A_283 : memref<80xi32, #tpu.memory_space<vmem>>) semaphore(%arg17 : memref<!tpu.dma_semaphore, #tpu.memory_space<semaphore_mem>>) {add = true}
      %add3A_287 = arith.constant 2 : i32
      %add3A_288 = arith.addi %add3A_223, %add3A_287 : i32
      %lt3A = arith.constant 125 : i32
      %lt3A_289 = arith.cmpi slt, %add3A_288, %lt3A : i32
      %convert_element_type3A_290 = arith.extui %lt3A_289 : i1 to i32
      %cond3A_291 = arith.constant 0 : i32
      %cond3A_292 = arith.cmpi ne, %convert_element_type3A_290, %cond3A_291 : i32
      scf.if %cond3A_292 {
        %add3A_366 = arith.constant 2 : i32
        %add3A_367 = arith.addi %add3A_223, %add3A_366 : i32
        %add3A_368 = arith.addi %mul3A_2, %add3A_367 : i32
        %mul3A_369 = arith.constant 80 : i32
        %mul3A_370 = arith.muli %add3A_368, %mul3A_369 : i32
        %dma_start3A_371 = arith.constant 0 : i32
        %dma_start3A_372 = arith.constant 0 : i32
        %dma_start3A_373 = arith.constant 0 : i32
        %dma_start3A_374 = tpu.memref_slice %arg11[%dma_start3A_371, %dma_start3A_372, %dma_start3A_373] : memref<2x80x32xf32, #tpu.memory_space<vmem>> -> memref<1x80x32xf32, #tpu.memory_space<vmem>>
        %dma_start3A_375 = tpu.memref_squeeze %dma_start3A_374 : memref<1x80x32xf32, #tpu.memory_space<vmem>> -> memref<80x32xf32, #tpu.memory_space<vmem>>
        %dma_start3A_376 = arith.constant 0 : i32
        %dma_start3A_377 = tpu.memref_slice %arg4[%mul3A_370, %dma_start3A_376] : memref<320000x32xf32, #tpu.memory_space<hbm>> -> memref<80x32xf32, #tpu.memory_space<hbm>>
        %dma_start3A_378 = arith.constant 0 : i32
        %dma_start3A_379 = arith.constant 0 : i32
        %dma_start3A_380 = tpu.memref_slice %arg11[%dma_start3A_371, %dma_start3A_378, %dma_start3A_379] : memref<2x80x32xf32, #tpu.memory_space<vmem>> -> memref<1x80x32xf32, #tpu.memory_space<vmem>>
        %dma_start3A_381 = tpu.memref_squeeze %dma_start3A_380 : memref<1x80x32xf32, #tpu.memory_space<vmem>> -> memref<80x32xf32, #tpu.memory_space<vmem>>
        %dma_start3A_382 = arith.constant 0 : i32
        %dma_start3A_383 = tpu.memref_slice %arg4[%mul3A_370, %dma_start3A_382] : memref<320000x32xf32, #tpu.memory_space<hbm>> -> memref<80x32xf32, #tpu.memory_space<hbm>>
        tpu.enqueue_dma source(%dma_start3A_383 : memref<80x32xf32, #tpu.memory_space<hbm>>) target(%dma_start3A_381 : memref<80x32xf32, #tpu.memory_space<vmem>>) target_semaphore(%arg15 : memref<!tpu.dma_semaphore, #tpu.memory_space<semaphore_mem>>)
        %mul3A_384 = arith.constant 80 : i32
        %mul3A_385 = arith.muli %add3A_367, %mul3A_384 : i32
        %dma_start3A_386 = arith.constant 0 : i32
        %dma_start3A_387 = arith.constant 0 : i32
        %dma_start3A_388 = arith.constant 0 : i32
        %dma_start3A_389 = tpu.memref_slice %arg9[%dma_start3A_386, %dma_start3A_387, %dma_start3A_388] : memref<2x80x32xf32, #tpu.memory_space<vmem>> -> memref<1x80x32xf32, #tpu.memory_space<vmem>>
        %dma_start3A_390 = tpu.memref_squeeze %dma_start3A_389 : memref<1x80x32xf32, #tpu.memory_space<vmem>> -> memref<80x32xf32, #tpu.memory_space<vmem>>
        %dma_start3A_391 = tpu.memref_slice %arg7[%mul3A_385] : memref<10000xi32, #tpu.memory_space<vmem>> -> memref<80xi32, #tpu.memory_space<vmem>>
        %dma_start3A_392 = arith.constant 0 : i32
        %dma_start3A_393 = arith.constant 0 : i32
        %dma_start3A_394 = tpu.memref_slice %arg2[%dma_start3A_392, %dma_start3A_393] : memref<10000x32xf32, #tpu.memory_space<hbm>> -> memref<10000x32xf32, #tpu.memory_space<hbm>>
        tpu.enqueue_indirect_dma source(%dma_start3A_394 : memref<10000x32xf32, #tpu.memory_space<hbm>>) target(%dma_start3A_390 : memref<80x32xf32, #tpu.memory_space<vmem>>) offsets(%dma_start3A_391 : memref<80xi32, #tpu.memory_space<vmem>>) semaphore(%arg15 : memref<!tpu.dma_semaphore, #tpu.memory_space<semaphore_mem>>)
        %mul3A_395 = arith.constant 80 : i32
        %mul3A_396 = arith.muli %add3A_367, %mul3A_395 : i32
        %dma_start3A_397 = arith.constant 0 : i32
        %dma_start3A_398 = arith.constant 0 : i32
        %dma_start3A_399 = arith.constant 0 : i32
        %dma_start3A_400 = tpu.memref_slice %arg10[%dma_start3A_397, %dma_start3A_398, %dma_start3A_399] : memref<2x80x32xf32, #tpu.memory_space<vmem>> -> memref<1x80x32xf32, #tpu.memory_space<vmem>>
        %dma_start3A_401 = tpu.memref_squeeze %dma_start3A_400 : memref<1x80x32xf32, #tpu.memory_space<vmem>> -> memref<80x32xf32, #tpu.memory_space<vmem>>
        %dma_start3A_402 = tpu.memref_slice %arg8[%mul3A_396] : memref<10000xi32, #tpu.memory_space<vmem>> -> memref<80xi32, #tpu.memory_space<vmem>>
        %dma_start3A_403 = arith.constant 0 : i32
        %dma_start3A_404 = arith.constant 0 : i32
        %dma_start3A_405 = tpu.memref_slice %arg3[%dma_start3A_403, %dma_start3A_404] : memref<10000x32xf32, #tpu.memory_space<hbm>> -> memref<10000x32xf32, #tpu.memory_space<hbm>>
        tpu.enqueue_indirect_dma source(%dma_start3A_405 : memref<10000x32xf32, #tpu.memory_space<hbm>>) target(%dma_start3A_401 : memref<80x32xf32, #tpu.memory_space<vmem>>) offsets(%dma_start3A_402 : memref<80xi32, #tpu.memory_space<vmem>>) semaphore(%arg15 : memref<!tpu.dma_semaphore, #tpu.memory_space<semaphore_mem>>)
      } else {
      }
      %add3A_293 = arith.constant 1 : i32
      %add3A_294 = arith.addi %add3A_221, %add3A_293 : i32
      %dma_wait3A_295 = arith.constant 1 : i32
      %dma_wait3A_296 = arith.constant 0 : i32
      %dma_wait3A_297 = arith.constant 0 : i32
      %dma_wait3A_298 = tpu.memref_slice %arg11[%dma_wait3A_295, %dma_wait3A_296, %dma_wait3A_297] : memref<2x80x32xf32, #tpu.memory_space<vmem>> -> memref<1x80x32xf32, #tpu.memory_space<vmem>>
      %dma_wait3A_299 = tpu.memref_squeeze %dma_wait3A_298 : memref<1x80x32xf32, #tpu.memory_space<vmem>> -> memref<80x32xf32, #tpu.memory_space<vmem>>
      %dma_wait3A_300 = arith.constant 0 : i32
      %dma_wait3A_301 = arith.constant 0 : i32
      %dma_wait3A_302 = tpu.memref_slice %arg4[%dma_wait3A_300, %dma_wait3A_301] : memref<320000x32xf32, #tpu.memory_space<hbm>> -> memref<80x32xf32, #tpu.memory_space<hbm>>
      %dma_wait3A_303 = arith.constant 0 : i32
      %dma_wait3A_304 = arith.constant 0 : i32
      %dma_wait3A_305 = tpu.memref_slice %arg11[%dma_wait3A_295, %dma_wait3A_303, %dma_wait3A_304] : memref<2x80x32xf32, #tpu.memory_space<vmem>> -> memref<1x80x32xf32, #tpu.memory_space<vmem>>
      %dma_wait3A_306 = tpu.memref_squeeze %dma_wait3A_305 : memref<1x80x32xf32, #tpu.memory_space<vmem>> -> memref<80x32xf32, #tpu.memory_space<vmem>>
      %dma_wait3A_307 = arith.constant 0 : i32
      %dma_wait3A_308 = arith.constant 0 : i32
      %dma_wait3A_309 = tpu.memref_slice %arg4[%dma_wait3A_307, %dma_wait3A_308] : memref<320000x32xf32, #tpu.memory_space<hbm>> -> memref<80x32xf32, #tpu.memory_space<hbm>>
      tpu.wait_dma2 semaphore(%arg16 : memref<!tpu.dma_semaphore, #tpu.memory_space<semaphore_mem>>) src(%dma_wait3A_309 : memref<80x32xf32, #tpu.memory_space<hbm>>) dst(%dma_wait3A_306 : memref<80x32xf32, #tpu.memory_space<vmem>>)
      %dma_wait3A_310 = arith.constant 1 : i32
      %dma_wait3A_311 = arith.constant 0 : i32
      %dma_wait3A_312 = arith.constant 0 : i32
      %dma_wait3A_313 = tpu.memref_slice %arg9[%dma_wait3A_310, %dma_wait3A_311, %dma_wait3A_312] : memref<2x80x32xf32, #tpu.memory_space<vmem>> -> memref<1x80x32xf32, #tpu.memory_space<vmem>>
      %dma_wait3A_314 = tpu.memref_squeeze %dma_wait3A_313 : memref<1x80x32xf32, #tpu.memory_space<vmem>> -> memref<80x32xf32, #tpu.memory_space<vmem>>
      %dma_wait3A_315 = arith.constant 0 : i32
      %dma_wait3A_316 = arith.constant 0 : i32
      %dma_wait3A_317 = tpu.memref_slice %arg4[%dma_wait3A_315, %dma_wait3A_316] : memref<320000x32xf32, #tpu.memory_space<hbm>> -> memref<80x32xf32, #tpu.memory_space<hbm>>
      %dma_wait3A_318 = arith.constant 0 : i32
      %dma_wait3A_319 = arith.constant 0 : i32
      %dma_wait3A_320 = tpu.memref_slice %arg9[%dma_wait3A_310, %dma_wait3A_318, %dma_wait3A_319] : memref<2x80x32xf32, #tpu.memory_space<vmem>> -> memref<1x80x32xf32, #tpu.memory_space<vmem>>
      %dma_wait3A_321 = tpu.memref_squeeze %dma_wait3A_320 : memref<1x80x32xf32, #tpu.memory_space<vmem>> -> memref<80x32xf32, #tpu.memory_space<vmem>>
      %dma_wait3A_322 = arith.constant 0 : i32
      %dma_wait3A_323 = arith.constant 0 : i32
      %dma_wait3A_324 = tpu.memref_slice %arg4[%dma_wait3A_322, %dma_wait3A_323] : memref<320000x32xf32, #tpu.memory_space<hbm>> -> memref<80x32xf32, #tpu.memory_space<hbm>>
      tpu.wait_dma2 semaphore(%arg16 : memref<!tpu.dma_semaphore, #tpu.memory_space<semaphore_mem>>) src(%dma_wait3A_324 : memref<80x32xf32, #tpu.memory_space<hbm>>) dst(%dma_wait3A_321 : memref<80x32xf32, #tpu.memory_space<vmem>>)
      %dma_wait3A_325 = arith.constant 1 : i32
      %dma_wait3A_326 = arith.constant 0 : i32
      %dma_wait3A_327 = arith.constant 0 : i32
      %dma_wait3A_328 = tpu.memref_slice %arg10[%dma_wait3A_325, %dma_wait3A_326, %dma_wait3A_327] : memref<2x80x32xf32, #tpu.memory_space<vmem>> -> memref<1x80x32xf32, #tpu.memory_space<vmem>>
      %dma_wait3A_329 = tpu.memref_squeeze %dma_wait3A_328 : memref<1x80x32xf32, #tpu.memory_space<vmem>> -> memref<80x32xf32, #tpu.memory_space<vmem>>
      %dma_wait3A_330 = arith.constant 0 : i32
      %dma_wait3A_331 = arith.constant 0 : i32
      %dma_wait3A_332 = tpu.memref_slice %arg4[%dma_wait3A_330, %dma_wait3A_331] : memref<320000x32xf32, #tpu.memory_space<hbm>> -> memref<80x32xf32, #tpu.memory_space<hbm>>
      %dma_wait3A_333 = arith.constant 0 : i32
      %dma_wait3A_334 = arith.constant 0 : i32
      %dma_wait3A_335 = tpu.memref_slice %arg10[%dma_wait3A_325, %dma_wait3A_333, %dma_wait3A_334] : memref<2x80x32xf32, #tpu.memory_space<vmem>> -> memref<1x80x32xf32, #tpu.memory_space<vmem>>
      %dma_wait3A_336 = tpu.memref_squeeze %dma_wait3A_335 : memref<1x80x32xf32, #tpu.memory_space<vmem>> -> memref<80x32xf32, #tpu.memory_space<vmem>>
      %dma_wait3A_337 = arith.constant 0 : i32
      %dma_wait3A_338 = arith.constant 0 : i32
      %dma_wait3A_339 = tpu.memref_slice %arg4[%dma_wait3A_337, %dma_wait3A_338] : memref<320000x32xf32, #tpu.memory_space<hbm>> -> memref<80x32xf32, #tpu.memory_space<hbm>>
      tpu.wait_dma2 semaphore(%arg16 : memref<!tpu.dma_semaphore, #tpu.memory_space<semaphore_mem>>) src(%dma_wait3A_339 : memref<80x32xf32, #tpu.memory_space<hbm>>) dst(%dma_wait3A_336 : memref<80x32xf32, #tpu.memory_space<vmem>>)
      %ge3A_340 = arith.constant 2 : i32
      %ge3A_341 = arith.cmpi sge, %add3A_294, %ge3A_340 : i32
      %convert_element_type3A_342 = arith.extui %ge3A_341 : i1 to i32
      %cond3A_343 = arith.constant 0 : i32
      %cond3A_344 = arith.cmpi ne, %convert_element_type3A_342, %cond3A_343 : i32
      scf.if %cond3A_344 {
        %dma_wait3A_366 = arith.constant 1 : i32
        %dma_wait3A_367 = arith.constant 0 : i32
        %dma_wait3A_368 = arith.constant 0 : i32
        %dma_wait3A_369 = tpu.memref_slice %arg12[%dma_wait3A_366, %dma_wait3A_367, %dma_wait3A_368] : memref<2x80x32xf32, #tpu.memory_space<vmem>> -> memref<1x80x32xf32, #tpu.memory_space<vmem>>
        %dma_wait3A_370 = tpu.memref_squeeze %dma_wait3A_369 : memref<1x80x32xf32, #tpu.memory_space<vmem>> -> memref<80x32xf32, #tpu.memory_space<vmem>>
        %dma_wait3A_371 = arith.constant 0 : i32
        %dma_wait3A_372 = arith.constant 0 : i32
        %dma_wait3A_373 = tpu.memref_slice %arg4[%dma_wait3A_371, %dma_wait3A_372] : memref<320000x32xf32, #tpu.memory_space<hbm>> -> memref<80x32xf32, #tpu.memory_space<hbm>>
        %dma_wait3A_374 = arith.constant 0 : i32
        %dma_wait3A_375 = arith.constant 0 : i32
        %dma_wait3A_376 = tpu.memref_slice %arg12[%dma_wait3A_366, %dma_wait3A_374, %dma_wait3A_375] : memref<2x80x32xf32, #tpu.memory_space<vmem>> -> memref<1x80x32xf32, #tpu.memory_space<vmem>>
        %dma_wait3A_377 = tpu.memref_squeeze %dma_wait3A_376 : memref<1x80x32xf32, #tpu.memory_space<vmem>> -> memref<80x32xf32, #tpu.memory_space<vmem>>
        %dma_wait3A_378 = arith.constant 0 : i32
        %dma_wait3A_379 = arith.constant 0 : i32
        %dma_wait3A_380 = tpu.memref_slice %arg4[%dma_wait3A_378, %dma_wait3A_379] : memref<320000x32xf32, #tpu.memory_space<hbm>> -> memref<80x32xf32, #tpu.memory_space<hbm>>
        tpu.wait_dma2 semaphore(%arg18 : memref<!tpu.dma_semaphore, #tpu.memory_space<semaphore_mem>>) src(%dma_wait3A_380 : memref<80x32xf32, #tpu.memory_space<hbm>>) dst(%dma_wait3A_377 : memref<80x32xf32, #tpu.memory_space<vmem>>)
      } else {
      }
      %parallel_loop3A_345 = arith.constant 0 : i32
      %parallel_loop3A_346 = arith.constant 80 : i32
      %parallel_loop3A_347 = arith.constant 1 : i32
      scf.for %parallel_loop3A_366 = %parallel_loop3A_345 to %parallel_loop3A_346 step %parallel_loop3A_347  : i32 {
        %parallel_loop3A_367 = arith.constant 1 : i32
        %parallel_loop3A_368 = arith.index_cast %parallel_loop3A_367 : i32 to index
        %parallel_loop3A_369 = arith.index_cast %parallel_loop3A_366 : i32 to index
        %parallel_loop3A_370 = arith.constant 0 : index
        %parallel_loop3A_371 = tpu.vector_load %arg9[%parallel_loop3A_368, %parallel_loop3A_369, %parallel_loop3A_370] {strides = array<i32>} : memref<2x80x32xf32, #tpu.memory_space<vmem>>, vector<1x1x16xf32>,
        %parallel_loop3A_372 = vector.shape_cast %parallel_loop3A_371 : vector<1x1x16xf32> to vector<16xf32>
        %parallel_loop3A_373 = arith.constant 1 : i32
        %parallel_loop3A_374 = arith.index_cast %parallel_loop3A_373 : i32 to index
        %parallel_loop3A_375 = arith.index_cast %parallel_loop3A_366 : i32 to index
        %parallel_loop3A_376 = arith.constant 0 : index
        %parallel_loop3A_377 = tpu.vector_load %arg10[%parallel_loop3A_374, %parallel_loop3A_375, %parallel_loop3A_376] {strides = array<i32>} : memref<2x80x32xf32, #tpu.memory_space<vmem>>, vector<1x1x16xf32>,
        %parallel_loop3A_378 = vector.shape_cast %parallel_loop3A_377 : vector<1x1x16xf32> to vector<16xf32>
        %parallel_loop3A_379 = arith.addf %parallel_loop3A_372, %parallel_loop3A_378 : vector<16xf32>
        %parallel_loop3A_380 = arith.constant 1 : i32
        %parallel_loop3A_381 = arith.index_cast %parallel_loop3A_380 : i32 to index
        %parallel_loop3A_382 = arith.index_cast %parallel_loop3A_366 : i32 to index
        %parallel_loop3A_383 = arith.constant 0 : index
        %parallel_loop3A_384 = tpu.vector_load %arg11[%parallel_loop3A_381, %parallel_loop3A_382, %parallel_loop3A_383] {strides = array<i32>} : memref<2x80x32xf32, #tpu.memory_space<vmem>>, vector<1x1x16xf32>,
        %parallel_loop3A_385 = vector.shape_cast %parallel_loop3A_384 : vector<1x1x16xf32> to vector<16xf32>
        %parallel_loop3A_386 = arith.addf %parallel_loop3A_379, %parallel_loop3A_385 : vector<16xf32>
        %parallel_loop3A_387 = arith.constant 0.000000e+00 : f32
        %parallel_loop3A_388 = vector.broadcast %parallel_loop3A_387 : f32 to vector<16xf32>
        %parallel_loop3A_389 = arith.maximumf %parallel_loop3A_386, %parallel_loop3A_388 : vector<16xf32>
        %parallel_loop3A_390 = arith.constant 1 : i32
        %parallel_loop3A_391 = arith.index_cast %parallel_loop3A_390 : i32 to index
        %parallel_loop3A_392 = arith.index_cast %parallel_loop3A_366 : i32 to index
        %parallel_loop3A_393 = arith.constant 0 : index
        %parallel_loop3A_394 = tpu.vector_load %arg12[%parallel_loop3A_391, %parallel_loop3A_392, %parallel_loop3A_393] {strides = array<i32>} : memref<2x80x32xf32, #tpu.memory_space<vmem>>, vector<1x1x16xf32>,
        %parallel_loop3A_395 = vector.shape_cast %parallel_loop3A_394 : vector<1x1x16xf32> to vector<16xf32>
        %parallel_loop3A_396 = vector.shape_cast %parallel_loop3A_389 : vector<16xf32> to vector<1x1x16xf32>
        tpu.vector_store %arg12[%parallel_loop3A_391, %parallel_loop3A_392, %parallel_loop3A_393], %parallel_loop3A_396 {strides = array<i32>} : memref<2x80x32xf32, #tpu.memory_space<vmem>>, vector<1x1x16xf32>,
        %parallel_loop3A_397 = arith.constant 1 : i32
        %parallel_loop3A_398 = arith.index_cast %parallel_loop3A_397 : i32 to index
        %parallel_loop3A_399 = arith.index_cast %parallel_loop3A_366 : i32 to index
        %parallel_loop3A_400 = arith.constant 16 : index
        %parallel_loop3A_401 = tpu.vector_load %arg9[%parallel_loop3A_398, %parallel_loop3A_399, %parallel_loop3A_400] {strides = array<i32>} : memref<2x80x32xf32, #tpu.memory_space<vmem>>, vector<1x1x16xf32>,
        %parallel_loop3A_402 = vector.shape_cast %parallel_loop3A_401 : vector<1x1x16xf32> to vector<16xf32>
        %parallel_loop3A_403 = arith.constant 1 : i32
        %parallel_loop3A_404 = arith.index_cast %parallel_loop3A_403 : i32 to index
        %parallel_loop3A_405 = arith.index_cast %parallel_loop3A_366 : i32 to index
        %parallel_loop3A_406 = arith.constant 16 : index
        %parallel_loop3A_407 = tpu.vector_load %arg10[%parallel_loop3A_404, %parallel_loop3A_405, %parallel_loop3A_406] {strides = array<i32>} : memref<2x80x32xf32, #tpu.memory_space<vmem>>, vector<1x1x16xf32>,
        %parallel_loop3A_408 = vector.shape_cast %parallel_loop3A_407 : vector<1x1x16xf32> to vector<16xf32>
        %parallel_loop3A_409 = arith.addf %parallel_loop3A_402, %parallel_loop3A_408 : vector<16xf32>
        %parallel_loop3A_410 = arith.constant 1 : i32
        %parallel_loop3A_411 = arith.index_cast %parallel_loop3A_410 : i32 to index
        %parallel_loop3A_412 = arith.index_cast %parallel_loop3A_366 : i32 to index
        %parallel_loop3A_413 = arith.constant 16 : index
        %parallel_loop3A_414 = tpu.vector_load %arg11[%parallel_loop3A_411, %parallel_loop3A_412, %parallel_loop3A_413] {strides = array<i32>} : memref<2x80x32xf32, #tpu.memory_space<vmem>>, vector<1x1x16xf32>,
        %parallel_loop3A_415 = vector.shape_cast %parallel_loop3A_414 : vector<1x1x16xf32> to vector<16xf32>
        %parallel_loop3A_416 = arith.addf %parallel_loop3A_409, %parallel_loop3A_415 : vector<16xf32>
        %parallel_loop3A_417 = arith.constant 0.000000e+00 : f32
        %parallel_loop3A_418 = vector.broadcast %parallel_loop3A_417 : f32 to vector<16xf32>
        %parallel_loop3A_419 = arith.maximumf %parallel_loop3A_416, %parallel_loop3A_418 : vector<16xf32>
        %parallel_loop3A_420 = arith.constant 1 : i32
        %parallel_loop3A_421 = arith.index_cast %parallel_loop3A_420 : i32 to index
        %parallel_loop3A_422 = arith.index_cast %parallel_loop3A_366 : i32 to index
        %parallel_loop3A_423 = arith.constant 16 : index
        %parallel_loop3A_424 = tpu.vector_load %arg12[%parallel_loop3A_421, %parallel_loop3A_422, %parallel_loop3A_423] {strides = array<i32>} : memref<2x80x32xf32, #tpu.memory_space<vmem>>, vector<1x1x16xf32>,
        %parallel_loop3A_425 = vector.shape_cast %parallel_loop3A_424 : vector<1x1x16xf32> to vector<16xf32>
        %parallel_loop3A_426 = vector.shape_cast %parallel_loop3A_419 : vector<16xf32> to vector<1x1x16xf32>
        tpu.vector_store %arg12[%parallel_loop3A_421, %parallel_loop3A_422, %parallel_loop3A_423], %parallel_loop3A_426 {strides = array<i32>} : memref<2x80x32xf32, #tpu.memory_space<vmem>>, vector<1x1x16xf32>,
      } {sc.loop_unroll_factor = 8 : i64, sc.parallel_access}
      %mul3A_348 = arith.constant 80 : i32
      %mul3A_349 = arith.muli %add3A_294, %mul3A_348 : i32
      %dma_start3A_350 = arith.constant 1 : i32
      %dma_start3A_351 = arith.constant 0 : i32
      %dma_start3A_352 = arith.constant 0 : i32
      %dma_start3A_353 = tpu.memref_slice %arg12[%dma_start3A_350, %dma_start3A_351, %dma_start3A_352] : memref<2x80x32xf32, #tpu.memory_space<vmem>> -> memref<1x80x32xf32, #tpu.memory_space<vmem>>
      %dma_start3A_354 = tpu.memref_squeeze %dma_start3A_353 : memref<1x80x32xf32, #tpu.memory_space<vmem>> -> memref<80x32xf32, #tpu.memory_space<vmem>>
      %dma_start3A_355 = tpu.memref_slice %arg7[%mul3A_349] : memref<10000xi32, #tpu.memory_space<vmem>> -> memref<80xi32, #tpu.memory_space<vmem>>
      %dma_start3A_356 = arith.constant 0 : i32
      %dma_start3A_357 = arith.constant 0 : i32
      %dma_start3A_358 = tpu.memref_slice %arg14[%dma_start3A_356, %dma_start3A_357] : memref<10000x32xf32, #tpu.memory_space<vmem_shared>> -> memref<10000x32xf32, #tpu.memory_space<vmem_shared>>
      tpu.enqueue_indirect_dma source(%dma_start3A_354 : memref<80x32xf32, #tpu.memory_space<vmem>>) target(%dma_start3A_358 : memref<10000x32xf32, #tpu.memory_space<vmem_shared>>) offsets(%dma_start3A_355 : memref<80xi32, #tpu.memory_space<vmem>>) semaphore(%arg18 : memref<!tpu.dma_semaphore, #tpu.memory_space<semaphore_mem>>) {add = true}
      %add3A_359 = arith.constant 2 : i32
      %add3A_360 = arith.addi %add3A_294, %add3A_359 : i32
      %lt3A_361 = arith.constant 125 : i32
      %lt3A_362 = arith.cmpi slt, %add3A_360, %lt3A_361 : i32
      %convert_element_type3A_363 = arith.extui %lt3A_362 : i1 to i32
      %cond3A_364 = arith.constant 0 : i32
      %cond3A_365 = arith.cmpi ne, %convert_element_type3A_363, %cond3A_364 : i32
      scf.if %cond3A_365 {
        %add3A_366 = arith.constant 2 : i32
        %add3A_367 = arith.addi %add3A_294, %add3A_366 : i32
        %add3A_368 = arith.addi %mul3A_2, %add3A_367 : i32
        %mul3A_369 = arith.constant 80 : i32
        %mul3A_370 = arith.muli %add3A_368, %mul3A_369 : i32
        %dma_start3A_371 = arith.constant 1 : i32
        %dma_start3A_372 = arith.constant 0 : i32
        %dma_start3A_373 = arith.constant 0 : i32
        %dma_start3A_374 = tpu.memref_slice %arg11[%dma_start3A_371, %dma_start3A_372, %dma_start3A_373] : memref<2x80x32xf32, #tpu.memory_space<vmem>> -> memref<1x80x32xf32, #tpu.memory_space<vmem>>
        %dma_start3A_375 = tpu.memref_squeeze %dma_start3A_374 : memref<1x80x32xf32, #tpu.memory_space<vmem>> -> memref<80x32xf32, #tpu.memory_space<vmem>>
        %dma_start3A_376 = arith.constant 0 : i32
        %dma_start3A_377 = tpu.memref_slice %arg4[%mul3A_370, %dma_start3A_376] : memref<320000x32xf32, #tpu.memory_space<hbm>> -> memref<80x32xf32, #tpu.memory_space<hbm>>
        %dma_start3A_378 = arith.constant 0 : i32
        %dma_start3A_379 = arith.constant 0 : i32
        %dma_start3A_380 = tpu.memref_slice %arg11[%dma_start3A_371, %dma_start3A_378, %dma_start3A_379] : memref<2x80x32xf32, #tpu.memory_space<vmem>> -> memref<1x80x32xf32, #tpu.memory_space<vmem>>
        %dma_start3A_381 = tpu.memref_squeeze %dma_start3A_380 : memref<1x80x32xf32, #tpu.memory_space<vmem>> -> memref<80x32xf32, #tpu.memory_space<vmem>>
        %dma_start3A_382 = arith.constant 0 : i32
        %dma_start3A_383 = tpu.memref_slice %arg4[%mul3A_370, %dma_start3A_382] : memref<320000x32xf32, #tpu.memory_space<hbm>> -> memref<80x32xf32, #tpu.memory_space<hbm>>
        tpu.enqueue_dma source(%dma_start3A_383 : memref<80x32xf32, #tpu.memory_space<hbm>>) target(%dma_start3A_381 : memref<80x32xf32, #tpu.memory_space<vmem>>) target_semaphore(%arg16 : memref<!tpu.dma_semaphore, #tpu.memory_space<semaphore_mem>>)
        %mul3A_384 = arith.constant 80 : i32
        %mul3A_385 = arith.muli %add3A_367, %mul3A_384 : i32
        %dma_start3A_386 = arith.constant 1 : i32
        %dma_start3A_387 = arith.constant 0 : i32
        %dma_start3A_388 = arith.constant 0 : i32
        %dma_start3A_389 = tpu.memref_slice %arg9[%dma_start3A_386, %dma_start3A_387, %dma_start3A_388] : memref<2x80x32xf32, #tpu.memory_space<vmem>> -> memref<1x80x32xf32, #tpu.memory_space<vmem>>
        %dma_start3A_390 = tpu.memref_squeeze %dma_start3A_389 : memref<1x80x32xf32, #tpu.memory_space<vmem>> -> memref<80x32xf32, #tpu.memory_space<vmem>>
        %dma_start3A_391 = tpu.memref_slice %arg7[%mul3A_385] : memref<10000xi32, #tpu.memory_space<vmem>> -> memref<80xi32, #tpu.memory_space<vmem>>
        %dma_start3A_392 = arith.constant 0 : i32
        %dma_start3A_393 = arith.constant 0 : i32
        %dma_start3A_394 = tpu.memref_slice %arg2[%dma_start3A_392, %dma_start3A_393] : memref<10000x32xf32, #tpu.memory_space<hbm>> -> memref<10000x32xf32, #tpu.memory_space<hbm>>
        tpu.enqueue_indirect_dma source(%dma_start3A_394 : memref<10000x32xf32, #tpu.memory_space<hbm>>) target(%dma_start3A_390 : memref<80x32xf32, #tpu.memory_space<vmem>>) offsets(%dma_start3A_391 : memref<80xi32, #tpu.memory_space<vmem>>) semaphore(%arg16 : memref<!tpu.dma_semaphore, #tpu.memory_space<semaphore_mem>>)
        %mul3A_395 = arith.constant 80 : i32
        %mul3A_396 = arith.muli %add3A_367, %mul3A_395 : i32
        %dma_start3A_397 = arith.constant 1 : i32
        %dma_start3A_398 = arith.constant 0 : i32
        %dma_start3A_399 = arith.constant 0 : i32
        %dma_start3A_400 = tpu.memref_slice %arg10[%dma_start3A_397, %dma_start3A_398, %dma_start3A_399] : memref<2x80x32xf32, #tpu.memory_space<vmem>> -> memref<1x80x32xf32, #tpu.memory_space<vmem>>
        %dma_start3A_401 = tpu.memref_squeeze %dma_start3A_400 : memref<1x80x32xf32, #tpu.memory_space<vmem>> -> memref<80x32xf32, #tpu.memory_space<vmem>>
        %dma_start3A_402 = tpu.memref_slice %arg8[%mul3A_396] : memref<10000xi32, #tpu.memory_space<vmem>> -> memref<80xi32, #tpu.memory_space<vmem>>
        %dma_start3A_403 = arith.constant 0 : i32
        %dma_start3A_404 = arith.constant 0 : i32
        %dma_start3A_405 = tpu.memref_slice %arg3[%dma_start3A_403, %dma_start3A_404] : memref<10000x32xf32, #tpu.memory_space<hbm>> -> memref<10000x32xf32, #tpu.memory_space<hbm>>
        tpu.enqueue_indirect_dma source(%dma_start3A_405 : memref<10000x32xf32, #tpu.memory_space<hbm>>) target(%dma_start3A_401 : memref<80x32xf32, #tpu.memory_space<vmem>>) offsets(%dma_start3A_402 : memref<80xi32, #tpu.memory_space<vmem>>) semaphore(%arg16 : memref<!tpu.dma_semaphore, #tpu.memory_space<semaphore_mem>>)
      } else {
      }
    }
    %scan3A_105 = arith.constant 62 : i32
    %dma_wait3A = arith.constant 0 : i32
    %dma_wait3A_106 = arith.constant 0 : i32
    %dma_wait3A_107 = arith.constant 0 : i32
    %dma_wait3A_108 = tpu.memref_slice %arg11[%dma_wait3A, %dma_wait3A_106, %dma_wait3A_107] : memref<2x80x32xf32, #tpu.memory_space<vmem>> -> memref<1x80x32xf32, #tpu.memory_space<vmem>>
    %dma_wait3A_109 = tpu.memref_squeeze %dma_wait3A_108 : memref<1x80x32xf32, #tpu.memory_space<vmem>> -> memref<80x32xf32, #tpu.memory_space<vmem>>
    %dma_wait3A_110 = arith.constant 0 : i32
    %dma_wait3A_111 = arith.constant 0 : i32
    %dma_wait3A_112 = tpu.memref_slice %arg4[%dma_wait3A_110, %dma_wait3A_111] : memref<320000x32xf32, #tpu.memory_space<hbm>> -> memref<80x32xf32, #tpu.memory_space<hbm>>
    %dma_wait3A_113 = arith.constant 0 : i32
    %dma_wait3A_114 = arith.constant 0 : i32
    %dma_wait3A_115 = tpu.memref_slice %arg11[%dma_wait3A, %dma_wait3A_113, %dma_wait3A_114] : memref<2x80x32xf32, #tpu.memory_space<vmem>> -> memref<1x80x32xf32, #tpu.memory_space<vmem>>
    %dma_wait3A_116 = tpu.memref_squeeze %dma_wait3A_115 : memref<1x80x32xf32, #tpu.memory_space<vmem>> -> memref<80x32xf32, #tpu.memory_space<vmem>>
    %dma_wait3A_117 = arith.constant 0 : i32
    %dma_wait3A_118 = arith.constant 0 : i32
    %dma_wait3A_119 = tpu.memref_slice %arg4[%dma_wait3A_117, %dma_wait3A_118] : memref<320000x32xf32, #tpu.memory_space<hbm>> -> memref<80x32xf32, #tpu.memory_space<hbm>>
    tpu.wait_dma2 semaphore(%arg15 : memref<!tpu.dma_semaphore, #tpu.memory_space<semaphore_mem>>) src(%dma_wait3A_119 : memref<80x32xf32, #tpu.memory_space<hbm>>) dst(%dma_wait3A_116 : memref<80x32xf32, #tpu.memory_space<vmem>>)
    %dma_wait3A_120 = arith.constant 0 : i32
    %dma_wait3A_121 = arith.constant 0 : i32
    %dma_wait3A_122 = arith.constant 0 : i32
    %dma_wait3A_123 = tpu.memref_slice %arg9[%dma_wait3A_120, %dma_wait3A_121, %dma_wait3A_122] : memref<2x80x32xf32, #tpu.memory_space<vmem>> -> memref<1x80x32xf32, #tpu.memory_space<vmem>>
    %dma_wait3A_124 = tpu.memref_squeeze %dma_wait3A_123 : memref<1x80x32xf32, #tpu.memory_space<vmem>> -> memref<80x32xf32, #tpu.memory_space<vmem>>
    %dma_wait3A_125 = arith.constant 0 : i32
    %dma_wait3A_126 = arith.constant 0 : i32
    %dma_wait3A_127 = tpu.memref_slice %arg4[%dma_wait3A_125, %dma_wait3A_126] : memref<320000x32xf32, #tpu.memory_space<hbm>> -> memref<80x32xf32, #tpu.memory_space<hbm>>
    %dma_wait3A_128 = arith.constant 0 : i32
    %dma_wait3A_129 = arith.constant 0 : i32
    %dma_wait3A_130 = tpu.memref_slice %arg9[%dma_wait3A_120, %dma_wait3A_128, %dma_wait3A_129] : memref<2x80x32xf32, #tpu.memory_space<vmem>> -> memref<1x80x32xf32, #tpu.memory_space<vmem>>
    %dma_wait3A_131 = tpu.memref_squeeze %dma_wait3A_130 : memref<1x80x32xf32, #tpu.memory_space<vmem>> -> memref<80x32xf32, #tpu.memory_space<vmem>>
    %dma_wait3A_132 = arith.constant 0 : i32
    %dma_wait3A_133 = arith.constant 0 : i32
    %dma_wait3A_134 = tpu.memref_slice %arg4[%dma_wait3A_132, %dma_wait3A_133] : memref<320000x32xf32, #tpu.memory_space<hbm>> -> memref<80x32xf32, #tpu.memory_space<hbm>>
    tpu.wait_dma2 semaphore(%arg15 : memref<!tpu.dma_semaphore, #tpu.memory_space<semaphore_mem>>) src(%dma_wait3A_134 : memref<80x32xf32, #tpu.memory_space<hbm>>) dst(%dma_wait3A_131 : memref<80x32xf32, #tpu.memory_space<vmem>>)
    %dma_wait3A_135 = arith.constant 0 : i32
    %dma_wait3A_136 = arith.constant 0 : i32
    %dma_wait3A_137 = arith.constant 0 : i32
    %dma_wait3A_138 = tpu.memref_slice %arg10[%dma_wait3A_135, %dma_wait3A_136, %dma_wait3A_137] : memref<2x80x32xf32, #tpu.memory_space<vmem>> -> memref<1x80x32xf32, #tpu.memory_space<vmem>>
    %dma_wait3A_139 = tpu.memref_squeeze %dma_wait3A_138 : memref<1x80x32xf32, #tpu.memory_space<vmem>> -> memref<80x32xf32, #tpu.memory_space<vmem>>
    %dma_wait3A_140 = arith.constant 0 : i32
    %dma_wait3A_141 = arith.constant 0 : i32
    %dma_wait3A_142 = tpu.memref_slice %arg4[%dma_wait3A_140, %dma_wait3A_141] : memref<320000x32xf32, #tpu.memory_space<hbm>> -> memref<80x32xf32, #tpu.memory_space<hbm>>
    %dma_wait3A_143 = arith.constant 0 : i32
    %dma_wait3A_144 = arith.constant 0 : i32
    %dma_wait3A_145 = tpu.memref_slice %arg10[%dma_wait3A_135, %dma_wait3A_143, %dma_wait3A_144] : memref<2x80x32xf32, #tpu.memory_space<vmem>> -> memref<1x80x32xf32, #tpu.memory_space<vmem>>
    %dma_wait3A_146 = tpu.memref_squeeze %dma_wait3A_145 : memref<1x80x32xf32, #tpu.memory_space<vmem>> -> memref<80x32xf32, #tpu.memory_space<vmem>>
    %dma_wait3A_147 = arith.constant 0 : i32
    %dma_wait3A_148 = arith.constant 0 : i32
    %dma_wait3A_149 = tpu.memref_slice %arg4[%dma_wait3A_147, %dma_wait3A_148] : memref<320000x32xf32, #tpu.memory_space<hbm>> -> memref<80x32xf32, #tpu.memory_space<hbm>>
    tpu.wait_dma2 semaphore(%arg15 : memref<!tpu.dma_semaphore, #tpu.memory_space<semaphore_mem>>) src(%dma_wait3A_149 : memref<80x32xf32, #tpu.memory_space<hbm>>) dst(%dma_wait3A_146 : memref<80x32xf32, #tpu.memory_space<vmem>>)
    %dma_wait3A_150 = arith.constant 0 : i32
    %dma_wait3A_151 = arith.constant 0 : i32
    %dma_wait3A_152 = arith.constant 0 : i32
    %dma_wait3A_153 = tpu.memref_slice %arg12[%dma_wait3A_150, %dma_wait3A_151, %dma_wait3A_152] : memref<2x80x32xf32, #tpu.memory_space<vmem>> -> memref<1x80x32xf32, #tpu.memory_space<vmem>>
    %dma_wait3A_154 = tpu.memref_squeeze %dma_wait3A_153 : memref<1x80x32xf32, #tpu.memory_space<vmem>> -> memref<80x32xf32, #tpu.memory_space<vmem>>
    %dma_wait3A_155 = arith.constant 0 : i32
    %dma_wait3A_156 = arith.constant 0 : i32
    %dma_wait3A_157 = tpu.memref_slice %arg4[%dma_wait3A_155, %dma_wait3A_156] : memref<320000x32xf32, #tpu.memory_space<hbm>> -> memref<80x32xf32, #tpu.memory_space<hbm>>
    %dma_wait3A_158 = arith.constant 0 : i32
    %dma_wait3A_159 = arith.constant 0 : i32
    %dma_wait3A_160 = tpu.memref_slice %arg12[%dma_wait3A_150, %dma_wait3A_158, %dma_wait3A_159] : memref<2x80x32xf32, #tpu.memory_space<vmem>> -> memref<1x80x32xf32, #tpu.memory_space<vmem>>
    %dma_wait3A_161 = tpu.memref_squeeze %dma_wait3A_160 : memref<1x80x32xf32, #tpu.memory_space<vmem>> -> memref<80x32xf32, #tpu.memory_space<vmem>>
    %dma_wait3A_162 = arith.constant 0 : i32
    %dma_wait3A_163 = arith.constant 0 : i32
    %dma_wait3A_164 = tpu.memref_slice %arg4[%dma_wait3A_162, %dma_wait3A_163] : memref<320000x32xf32, #tpu.memory_space<hbm>> -> memref<80x32xf32, #tpu.memory_space<hbm>>
    tpu.wait_dma2 semaphore(%arg17 : memref<!tpu.dma_semaphore, #tpu.memory_space<semaphore_mem>>) src(%dma_wait3A_164 : memref<80x32xf32, #tpu.memory_space<hbm>>) dst(%dma_wait3A_161 : memref<80x32xf32, #tpu.memory_space<vmem>>)
    %parallel_loop3A = arith.constant 0 : i32
    %parallel_loop3A_165 = arith.constant 80 : i32
    %parallel_loop3A_166 = arith.constant 1 : i32
    scf.for %parallel_loop3A_217 = %parallel_loop3A to %parallel_loop3A_165 step %parallel_loop3A_166  : i32 {
      %parallel_loop3A_218 = arith.constant 0 : i32
      %parallel_loop3A_219 = arith.index_cast %parallel_loop3A_218 : i32 to index
      %parallel_loop3A_220 = arith.index_cast %parallel_loop3A_217 : i32 to index
      %parallel_loop3A_221 = arith.constant 0 : index
      %parallel_loop3A_222 = tpu.vector_load %arg9[%parallel_loop3A_219, %parallel_loop3A_220, %parallel_loop3A_221] {strides = array<i32>} : memref<2x80x32xf32, #tpu.memory_space<vmem>>, vector<1x1x16xf32>,
      %parallel_loop3A_223 = vector.shape_cast %parallel_loop3A_222 : vector<1x1x16xf32> to vector<16xf32>
      %parallel_loop3A_224 = arith.constant 0 : i32
      %parallel_loop3A_225 = arith.index_cast %parallel_loop3A_224 : i32 to index
      %parallel_loop3A_226 = arith.index_cast %parallel_loop3A_217 : i32 to index
      %parallel_loop3A_227 = arith.constant 0 : index
      %parallel_loop3A_228 = tpu.vector_load %arg10[%parallel_loop3A_225, %parallel_loop3A_226, %parallel_loop3A_227] {strides = array<i32>} : memref<2x80x32xf32, #tpu.memory_space<vmem>>, vector<1x1x16xf32>,
      %parallel_loop3A_229 = vector.shape_cast %parallel_loop3A_228 : vector<1x1x16xf32> to vector<16xf32>
      %parallel_loop3A_230 = arith.addf %parallel_loop3A_223, %parallel_loop3A_229 : vector<16xf32>
      %parallel_loop3A_231 = arith.constant 0 : i32
      %parallel_loop3A_232 = arith.index_cast %parallel_loop3A_231 : i32 to index
      %parallel_loop3A_233 = arith.index_cast %parallel_loop3A_217 : i32 to index
      %parallel_loop3A_234 = arith.constant 0 : index
      %parallel_loop3A_235 = tpu.vector_load %arg11[%parallel_loop3A_232, %parallel_loop3A_233, %parallel_loop3A_234] {strides = array<i32>} : memref<2x80x32xf32, #tpu.memory_space<vmem>>, vector<1x1x16xf32>,
      %parallel_loop3A_236 = vector.shape_cast %parallel_loop3A_235 : vector<1x1x16xf32> to vector<16xf32>
      %parallel_loop3A_237 = arith.addf %parallel_loop3A_230, %parallel_loop3A_236 : vector<16xf32>
      %parallel_loop3A_238 = arith.constant 0.000000e+00 : f32
      %parallel_loop3A_239 = vector.broadcast %parallel_loop3A_238 : f32 to vector<16xf32>
      %parallel_loop3A_240 = arith.maximumf %parallel_loop3A_237, %parallel_loop3A_239 : vector<16xf32>
      %parallel_loop3A_241 = arith.constant 0 : i32
      %parallel_loop3A_242 = arith.index_cast %parallel_loop3A_241 : i32 to index
      %parallel_loop3A_243 = arith.index_cast %parallel_loop3A_217 : i32 to index
      %parallel_loop3A_244 = arith.constant 0 : index
      %parallel_loop3A_245 = tpu.vector_load %arg12[%parallel_loop3A_242, %parallel_loop3A_243, %parallel_loop3A_244] {strides = array<i32>} : memref<2x80x32xf32, #tpu.memory_space<vmem>>, vector<1x1x16xf32>,
      %parallel_loop3A_246 = vector.shape_cast %parallel_loop3A_245 : vector<1x1x16xf32> to vector<16xf32>
      %parallel_loop3A_247 = vector.shape_cast %parallel_loop3A_240 : vector<16xf32> to vector<1x1x16xf32>
      tpu.vector_store %arg12[%parallel_loop3A_242, %parallel_loop3A_243, %parallel_loop3A_244], %parallel_loop3A_247 {strides = array<i32>} : memref<2x80x32xf32, #tpu.memory_space<vmem>>, vector<1x1x16xf32>,
      %parallel_loop3A_248 = arith.constant 0 : i32
      %parallel_loop3A_249 = arith.index_cast %parallel_loop3A_248 : i32 to index
      %parallel_loop3A_250 = arith.index_cast %parallel_loop3A_217 : i32 to index
      %parallel_loop3A_251 = arith.constant 16 : index
      %parallel_loop3A_252 = tpu.vector_load %arg9[%parallel_loop3A_249, %parallel_loop3A_250, %parallel_loop3A_251] {strides = array<i32>} : memref<2x80x32xf32, #tpu.memory_space<vmem>>, vector<1x1x16xf32>,
      %parallel_loop3A_253 = vector.shape_cast %parallel_loop3A_252 : vector<1x1x16xf32> to vector<16xf32>
      %parallel_loop3A_254 = arith.constant 0 : i32
      %parallel_loop3A_255 = arith.index_cast %parallel_loop3A_254 : i32 to index
      %parallel_loop3A_256 = arith.index_cast %parallel_loop3A_217 : i32 to index
      %parallel_loop3A_257 = arith.constant 16 : index
      %parallel_loop3A_258 = tpu.vector_load %arg10[%parallel_loop3A_255, %parallel_loop3A_256, %parallel_loop3A_257] {strides = array<i32>} : memref<2x80x32xf32, #tpu.memory_space<vmem>>, vector<1x1x16xf32>,
      %parallel_loop3A_259 = vector.shape_cast %parallel_loop3A_258 : vector<1x1x16xf32> to vector<16xf32>
      %parallel_loop3A_260 = arith.addf %parallel_loop3A_253, %parallel_loop3A_259 : vector<16xf32>
      %parallel_loop3A_261 = arith.constant 0 : i32
      %parallel_loop3A_262 = arith.index_cast %parallel_loop3A_261 : i32 to index
      %parallel_loop3A_263 = arith.index_cast %parallel_loop3A_217 : i32 to index
      %parallel_loop3A_264 = arith.constant 16 : index
      %parallel_loop3A_265 = tpu.vector_load %arg11[%parallel_loop3A_262, %parallel_loop3A_263, %parallel_loop3A_264] {strides = array<i32>} : memref<2x80x32xf32, #tpu.memory_space<vmem>>, vector<1x1x16xf32>,
      %parallel_loop3A_266 = vector.shape_cast %parallel_loop3A_265 : vector<1x1x16xf32> to vector<16xf32>
      %parallel_loop3A_267 = arith.addf %parallel_loop3A_260, %parallel_loop3A_266 : vector<16xf32>
      %parallel_loop3A_268 = arith.constant 0.000000e+00 : f32
      %parallel_loop3A_269 = vector.broadcast %parallel_loop3A_268 : f32 to vector<16xf32>
      %parallel_loop3A_270 = arith.maximumf %parallel_loop3A_267, %parallel_loop3A_269 : vector<16xf32>
      %parallel_loop3A_271 = arith.constant 0 : i32
      %parallel_loop3A_272 = arith.index_cast %parallel_loop3A_271 : i32 to index
      %parallel_loop3A_273 = arith.index_cast %parallel_loop3A_217 : i32 to index
      %parallel_loop3A_274 = arith.constant 16 : index
      %parallel_loop3A_275 = tpu.vector_load %arg12[%parallel_loop3A_272, %parallel_loop3A_273, %parallel_loop3A_274] {strides = array<i32>} : memref<2x80x32xf32, #tpu.memory_space<vmem>>, vector<1x1x16xf32>,
      %parallel_loop3A_276 = vector.shape_cast %parallel_loop3A_275 : vector<1x1x16xf32> to vector<16xf32>
      %parallel_loop3A_277 = vector.shape_cast %parallel_loop3A_270 : vector<16xf32> to vector<1x1x16xf32>
      tpu.vector_store %arg12[%parallel_loop3A_272, %parallel_loop3A_273, %parallel_loop3A_274], %parallel_loop3A_277 {strides = array<i32>} : memref<2x80x32xf32, #tpu.memory_space<vmem>>, vector<1x1x16xf32>,
    } {sc.loop_unroll_factor = 8 : i64, sc.parallel_access}
    %dma_start3A_167 = arith.constant 0 : i32
    %dma_start3A_168 = arith.constant 0 : i32
    %dma_start3A_169 = arith.constant 0 : i32
    %dma_start3A_170 = tpu.memref_slice %arg12[%dma_start3A_167, %dma_start3A_168, %dma_start3A_169] : memref<2x80x32xf32, #tpu.memory_space<vmem>> -> memref<1x80x32xf32, #tpu.memory_space<vmem>>
    %dma_start3A_171 = tpu.memref_squeeze %dma_start3A_170 : memref<1x80x32xf32, #tpu.memory_space<vmem>> -> memref<80x32xf32, #tpu.memory_space<vmem>>
    %dma_start3A_172 = arith.constant 9920 : i32
    %dma_start3A_173 = tpu.memref_slice %arg7[%dma_start3A_172] : memref<10000xi32, #tpu.memory_space<vmem>> -> memref<80xi32, #tpu.memory_space<vmem>>
    %dma_start3A_174 = arith.constant 0 : i32
    %dma_start3A_175 = arith.constant 0 : i32
    %dma_start3A_176 = tpu.memref_slice %arg14[%dma_start3A_174, %dma_start3A_175] : memref<10000x32xf32, #tpu.memory_space<vmem_shared>> -> memref<10000x32xf32, #tpu.memory_space<vmem_shared>>
    tpu.enqueue_indirect_dma source(%dma_start3A_171 : memref<80x32xf32, #tpu.memory_space<vmem>>) target(%dma_start3A_176 : memref<10000x32xf32, #tpu.memory_space<vmem_shared>>) offsets(%dma_start3A_173 : memref<80xi32, #tpu.memory_space<vmem>>) semaphore(%arg17 : memref<!tpu.dma_semaphore, #tpu.memory_space<semaphore_mem>>) {add = true}
    %dma_wait3A_177 = arith.constant 0 : i32
    %dma_wait3A_178 = arith.constant 0 : i32
    %dma_wait3A_179 = arith.constant 0 : i32
    %dma_wait3A_180 = tpu.memref_slice %arg12[%dma_wait3A_177, %dma_wait3A_178, %dma_wait3A_179] : memref<2x80x32xf32, #tpu.memory_space<vmem>> -> memref<1x80x32xf32, #tpu.memory_space<vmem>>
    %dma_wait3A_181 = tpu.memref_squeeze %dma_wait3A_180 : memref<1x80x32xf32, #tpu.memory_space<vmem>> -> memref<80x32xf32, #tpu.memory_space<vmem>>
    %dma_wait3A_182 = arith.constant 0 : i32
    %dma_wait3A_183 = arith.constant 0 : i32
    %dma_wait3A_184 = tpu.memref_slice %arg4[%dma_wait3A_182, %dma_wait3A_183] : memref<320000x32xf32, #tpu.memory_space<hbm>> -> memref<80x32xf32, #tpu.memory_space<hbm>>
    %dma_wait3A_185 = arith.constant 0 : i32
    %dma_wait3A_186 = arith.constant 0 : i32
    %dma_wait3A_187 = tpu.memref_slice %arg12[%dma_wait3A_177, %dma_wait3A_185, %dma_wait3A_186] : memref<2x80x32xf32, #tpu.memory_space<vmem>> -> memref<1x80x32xf32, #tpu.memory_space<vmem>>
    %dma_wait3A_188 = tpu.memref_squeeze %dma_wait3A_187 : memref<1x80x32xf32, #tpu.memory_space<vmem>> -> memref<80x32xf32, #tpu.memory_space<vmem>>
    %dma_wait3A_189 = arith.constant 0 : i32
    %dma_wait3A_190 = arith.constant 0 : i32
    %dma_wait3A_191 = tpu.memref_slice %arg4[%dma_wait3A_189, %dma_wait3A_190] : memref<320000x32xf32, #tpu.memory_space<hbm>> -> memref<80x32xf32, #tpu.memory_space<hbm>>
    tpu.wait_dma2 semaphore(%arg17 : memref<!tpu.dma_semaphore, #tpu.memory_space<semaphore_mem>>) src(%dma_wait3A_191 : memref<80x32xf32, #tpu.memory_space<hbm>>) dst(%dma_wait3A_188 : memref<80x32xf32, #tpu.memory_space<vmem>>)
    %dma_wait3A_192 = arith.constant 1 : i32
    %dma_wait3A_193 = arith.constant 0 : i32
    %dma_wait3A_194 = arith.constant 0 : i32
    %dma_wait3A_195 = tpu.memref_slice %arg12[%dma_wait3A_192, %dma_wait3A_193, %dma_wait3A_194] : memref<2x80x32xf32, #tpu.memory_space<vmem>> -> memref<1x80x32xf32, #tpu.memory_space<vmem>>
    %dma_wait3A_196 = tpu.memref_squeeze %dma_wait3A_195 : memref<1x80x32xf32, #tpu.memory_space<vmem>> -> memref<80x32xf32, #tpu.memory_space<vmem>>
    %dma_wait3A_197 = arith.constant 0 : i32
    %dma_wait3A_198 = arith.constant 0 : i32
    %dma_wait3A_199 = tpu.memref_slice %arg4[%dma_wait3A_197, %dma_wait3A_198] : memref<320000x32xf32, #tpu.memory_space<hbm>> -> memref<80x32xf32, #tpu.memory_space<hbm>>
    %dma_wait3A_200 = arith.constant 0 : i32
    %dma_wait3A_201 = arith.constant 0 : i32
    %dma_wait3A_202 = tpu.memref_slice %arg12[%dma_wait3A_192, %dma_wait3A_200, %dma_wait3A_201] : memref<2x80x32xf32, #tpu.memory_space<vmem>> -> memref<1x80x32xf32, #tpu.memory_space<vmem>>
    %dma_wait3A_203 = tpu.memref_squeeze %dma_wait3A_202 : memref<1x80x32xf32, #tpu.memory_space<vmem>> -> memref<80x32xf32, #tpu.memory_space<vmem>>
    %dma_wait3A_204 = arith.constant 0 : i32
    %dma_wait3A_205 = arith.constant 0 : i32
    %dma_wait3A_206 = tpu.memref_slice %arg4[%dma_wait3A_204, %dma_wait3A_205] : memref<320000x32xf32, #tpu.memory_space<hbm>> -> memref<80x32xf32, #tpu.memory_space<hbm>>
    tpu.wait_dma2 semaphore(%arg18 : memref<!tpu.dma_semaphore, #tpu.memory_space<semaphore_mem>>) src(%dma_wait3A_206 : memref<80x32xf32, #tpu.memory_space<hbm>>) dst(%dma_wait3A_203 : memref<80x32xf32, #tpu.memory_space<vmem>>)
    %barrier3A_207 = arith.constant 0 : index
    tpu.barrier barrier_id(%barrier3A_207)
    %mul3A_208 = arith.constant 624 : i32
    %mul3A_209 = arith.muli %arg1, %mul3A_208 : i32
    %mul3A_210 = arith.constant 624 : i32
    %mul3A_211 = arith.muli %arg1, %mul3A_210 : i32
    "tpu.region"() ({
      %run_scoped3A_217 = tpu.sem_alloc : memref<!tpu.dma_semaphore, #tpu.memory_space<semaphore_mem>>
      %dma_start3A_218 = arith.constant 0 : i32
      %dma_start3A_219 = tpu.memref_slice %arg6[%arg0, %mul3A_211, %dma_start3A_218] : memref<2x10000x32xf32, #tpu.memory_space<hbm>> -> memref<1x624x32xf32, #tpu.memory_space<hbm>>
      %dma_start3A_220 = tpu.memref_squeeze %dma_start3A_219 : memref<1x624x32xf32, #tpu.memory_space<hbm>> -> memref<624x32xf32, #tpu.memory_space<hbm>>
      %dma_start3A_221 = arith.constant 0 : i32
      %dma_start3A_222 = tpu.memref_slice %arg14[%mul3A_209, %dma_start3A_221] : memref<10000x32xf32, #tpu.memory_space<vmem_shared>> -> memref<624x32xf32, #tpu.memory_space<vmem_shared>>
      tpu.enqueue_dma source(%dma_start3A_222 : memref<624x32xf32, #tpu.memory_space<vmem_shared>>) target(%dma_start3A_220 : memref<624x32xf32, #tpu.memory_space<hbm>>) target_semaphore(%run_scoped3A_217 : memref<!tpu.dma_semaphore, #tpu.memory_space<semaphore_mem>>)
      %dma_wait3A_223 = arith.constant 0 : i32
      %dma_wait3A_224 = tpu.memref_slice %arg6[%arg0, %mul3A_211, %dma_wait3A_223] : memref<2x10000x32xf32, #tpu.memory_space<hbm>> -> memref<1x624x32xf32, #tpu.memory_space<hbm>>
      %dma_wait3A_225 = tpu.memref_squeeze %dma_wait3A_224 : memref<1x624x32xf32, #tpu.memory_space<hbm>> -> memref<624x32xf32, #tpu.memory_space<hbm>>
      %dma_wait3A_226 = arith.constant 0 : i32
      %dma_wait3A_227 = tpu.memref_slice %arg14[%mul3A_209, %dma_wait3A_226] : memref<10000x32xf32, #tpu.memory_space<vmem_shared>> -> memref<624x32xf32, #tpu.memory_space<vmem_shared>>
      tpu.wait_dma2 semaphore(%run_scoped3A_217 : memref<!tpu.dma_semaphore, #tpu.memory_space<semaphore_mem>>) src(%dma_wait3A_227 : memref<624x32xf32, #tpu.memory_space<vmem_shared>>) dst(%dma_wait3A_225 : memref<624x32xf32, #tpu.memory_space<hbm>>)
      tpu.yield
    }) : () -> ()
    %eq3A_212 = arith.constant 0 : i32
    %eq3A_213 = arith.cmpi eq, %arg1, %eq3A_212 : i32
    %convert_element_type3A_214 = arith.extui %eq3A_213 : i1 to i32
    %cond3A_215 = arith.constant 0 : i32
    %cond3A_216 = arith.cmpi ne, %convert_element_type3A_214, %cond3A_215 : i32
    scf.if %cond3A_216 {
      "tpu.region"() ({
        %run_scoped3A_217 = tpu.sem_alloc : memref<!tpu.dma_semaphore, #tpu.memory_space<semaphore_mem>>
        %dma_start3A_218 = arith.constant 9984 : i32
        %dma_start3A_219 = arith.constant 0 : i32
        %dma_start3A_220 = tpu.memref_slice %arg6[%arg0, %dma_start3A_218, %dma_start3A_219] : memref<2x10000x32xf32, #tpu.memory_space<hbm>> -> memref<1x16x32xf32, #tpu.memory_space<hbm>>
        %dma_start3A_221 = tpu.memref_squeeze %dma_start3A_220 : memref<1x16x32xf32, #tpu.memory_space<hbm>> -> memref<16x32xf32, #tpu.memory_space<hbm>>
        %dma_start3A_222 = arith.constant 9984 : i32
        %dma_start3A_223 = arith.constant 0 : i32
        %dma_start3A_224 = tpu.memref_slice %arg14[%dma_start3A_222, %dma_start3A_223] : memref<10000x32xf32, #tpu.memory_space<vmem_shared>> -> memref<16x32xf32, #tpu.memory_space<vmem_shared>>
        tpu.enqueue_dma source(%dma_start3A_224 : memref<16x32xf32, #tpu.memory_space<vmem_shared>>) target(%dma_start3A_221 : memref<16x32xf32, #tpu.memory_space<hbm>>) target_semaphore(%run_scoped3A_217 : memref<!tpu.dma_semaphore, #tpu.memory_space<semaphore_mem>>)
        %dma_wait3A_225 = arith.constant 9984 : i32
        %dma_wait3A_226 = arith.constant 0 : i32
        %dma_wait3A_227 = tpu.memref_slice %arg6[%arg0, %dma_wait3A_225, %dma_wait3A_226] : memref<2x10000x32xf32, #tpu.memory_space<hbm>> -> memref<1x16x32xf32, #tpu.memory_space<hbm>>
        %dma_wait3A_228 = tpu.memref_squeeze %dma_wait3A_227 : memref<1x16x32xf32, #tpu.memory_space<hbm>> -> memref<16x32xf32, #tpu.memory_space<hbm>>
        %dma_wait3A_229 = arith.constant 9984 : i32
        %dma_wait3A_230 = arith.constant 0 : i32
        %dma_wait3A_231 = tpu.memref_slice %arg14[%dma_wait3A_229, %dma_wait3A_230] : memref<10000x32xf32, #tpu.memory_space<vmem_shared>> -> memref<16x32xf32, #tpu.memory_space<vmem_shared>>
        tpu.wait_dma2 semaphore(%run_scoped3A_217 : memref<!tpu.dma_semaphore, #tpu.memory_space<semaphore_mem>>) src(%dma_wait3A_231 : memref<16x32xf32, #tpu.memory_space<vmem_shared>>) dst(%dma_wait3A_228 : memref<16x32xf32, #tpu.memory_space<hbm>>)
        tpu.yield
      }) : () -> ()
    } else {
    }
    return
  }
}

module attributes {stable_mosaic.version = 14 : i64} {
  func.func @_ab_body(%arg0: i32, %arg1: memref<5000x128xf32, #tpu.memory_space<vmem>>, %arg2: memref<128x64xf32, #tpu.memory_space<vmem>>, %arg3: memref<5000x32xf32, #tpu.memory_space<vmem>>, %arg4: memref<5000x32xf32, #tpu.memory_space<vmem>>) attributes {dimension_semantics = [#tpu.dimension_semantics<arbitrary>], iteration_bounds = array<i64: 2>, scalar_prefetch = 0 : i64, scratch_operands = 0 : i64, tpu.core_type = #tpu.core_type<tc>, window_params = [{transform_indices = @transform_0, window_bounds = array<i64: 5000, 128>}, {pipeline_mode = #tpu.pipeline_mode<synchronous>, transform_indices = @transform_1, window_bounds = array<i64: 128, 64>}, {transform_indices = @transform_2, window_bounds = array<i64: 5000, 32>}, {transform_indices = @transform_3, window_bounds = array<i64: 5000, 32>}]} {
    %get3A = arith.constant 0 : index
    %get3A_0 = arith.constant 0 : index
    %get3A_1 = vector.load %arg1[%get3A, %get3A_0] : memref<5000x128xf32, #tpu.memory_space<vmem>>, vector<5000x128xf32>
    %get3A_2 = arith.constant 0 : index
    %get3A_3 = arith.constant 0 : index
    %get3A_4 = vector.load %arg2[%get3A_2, %get3A_3] : memref<128x64xf32, #tpu.memory_space<vmem>>, vector<128x64xf32>
    %dot_general3A = arith.constant dense<0.000000e+00> : vector<5000x64xf32>
    %dot_general3A_5 = tpu.matmul %get3A_1, %get3A_4, %dot_general3A {dimension_numbers = #tpu.dot_dimension_numbers<[1], [0], [0], [1], [0, 0, 1, 1], [], []>, transpose_lhs_hint = false} : vector<5000x128xf32>, vector<128x64xf32>, vector<5000x64xf32> -> vector<5000x64xf32>
    %slice3A = vector.extract_strided_slice %dot_general3A_5 {offsets = [0, 0], sizes = [5000, 32], strides = [1, 1]} : vector<5000x64xf32> to vector<5000x32xf32>
    %swap3A = arith.constant 0 : index
    %swap3A_6 = arith.constant 0 : index
    %swap3A_7 = vector.load %arg3[%swap3A, %swap3A_6] : memref<5000x32xf32, #tpu.memory_space<vmem>>, vector<5000x32xf32>
    tpu.vector_store %arg3[%swap3A, %swap3A_6], %slice3A {strides = array<i32>} : memref<5000x32xf32, #tpu.memory_space<vmem>>, vector<5000x32xf32>,
    %slice3A_8 = vector.extract_strided_slice %dot_general3A_5 {offsets = [0, 32], sizes = [5000, 32], strides = [1, 1]} : vector<5000x64xf32> to vector<5000x32xf32>
    %swap3A_9 = arith.constant 0 : index
    %swap3A_10 = arith.constant 0 : index
    %swap3A_11 = vector.load %arg4[%swap3A_9, %swap3A_10] : memref<5000x32xf32, #tpu.memory_space<vmem>>, vector<5000x32xf32>
    tpu.vector_store %arg4[%swap3A_9, %swap3A_10], %slice3A_8 {strides = array<i32>} : memref<5000x32xf32, #tpu.memory_space<vmem>>, vector<5000x32xf32>,
    return
  }
  func.func @transform_0(%arg0: i32) -> (i32, i32) {
    %c0_i32 = arith.constant 0 : i32
    %c0_i32_0 = arith.constant 0 : i32
    return %arg0, %c0_i32 : i32, i32
  }
  func.func @transform_1(%arg0: i32) -> (i32, i32) {
    %c0_i32 = arith.constant 0 : i32
    %c0_i32_0 = arith.constant 0 : i32
    %c0_i32_1 = arith.constant 0 : i32
    return %c0_i32, %c0_i32_0 : i32, i32
  }
  func.func @transform_2(%arg0: i32) -> (i32, i32) {
    %c0_i32 = arith.constant 0 : i32
    %c0_i32_0 = arith.constant 0 : i32
    return %arg0, %c0_i32 : i32, i32
  }
  func.func @transform_3(%arg0: i32) -> (i32, i32) {
    %c0_i32 = arith.constant 0 : i32
    %c0_i32_0 = arith.constant 0 : i32
    return %arg0, %c0_i32 : i32, i32
  }
}

module attributes {stable_mosaic.version = 14 : i64} {
  func.func @_e_body(%arg0: i32, %arg1: memref<16x6400xf32, #tpu.memory_space<vmem>>, %arg2: memref<16x32xf32, #tpu.memory_space<vmem>>, %arg3: memref<1x32xf32, #tpu.memory_space<vmem>>, %arg4: memref<800x256xf32, #tpu.memory_space<vmem>>) attributes {dimension_semantics = [#tpu.dimension_semantics<arbitrary>], iteration_bounds = array<i64: 50>, scalar_prefetch = 0 : i64, scratch_operands = 0 : i64, tpu.core_type = #tpu.core_type<tc>, window_params = [{transform_indices = @transform_0, window_bounds = array<i64: 16, 6400>}, {pipeline_mode = #tpu.pipeline_mode<synchronous>, transform_indices = @transform_1, window_bounds = array<i64: 16, 32>}, {pipeline_mode = #tpu.pipeline_mode<synchronous>, transform_indices = @transform_2, window_bounds = array<i64: 1, 32>}, {transform_indices = @transform_3, window_bounds = array<i64: 800, 256>}]} {
    %get3A = arith.constant 0 : index
    %get3A_0 = arith.constant 0 : index
    %get3A_1 = vector.load %arg1[%get3A, %get3A_0] : memref<16x6400xf32, #tpu.memory_space<vmem>>, vector<16x6400xf32>
    %get3A_2 = arith.constant 0 : index
    %get3A_3 = arith.constant 0 : index
    %get3A_4 = vector.load %arg2[%get3A_2, %get3A_3] : memref<16x32xf32, #tpu.memory_space<vmem>>, vector<16x32xf32>
    %dot_general3A = arith.constant dense<0.000000e+00> : vector<6400x32xf32>
    %dot_general3A_5 = tpu.matmul %get3A_1, %get3A_4, %dot_general3A {dimension_numbers = #tpu.dot_dimension_numbers<[0], [0], [1], [1], [0, 1, 1, 1], [], []>, transpose_lhs_hint = false} : vector<16x6400xf32>, vector<16x32xf32>, vector<6400x32xf32> -> vector<6400x32xf32>
    %get3A_6 = arith.constant 0 : index
    %get3A_7 = arith.constant 0 : index
    %get3A_8 = vector.load %arg3[%get3A_6, %get3A_7] : memref<1x32xf32, #tpu.memory_space<vmem>>, vector<1x32xf32>
    %add3A = vector.broadcast %get3A_8 : vector<1x32xf32> to vector<6400x32xf32>
    %add3A_9 = arith.addf %dot_general3A_5, %add3A : vector<6400x32xf32>
    %reshape3A = vector.shape_cast %add3A_9 : vector<6400x32xf32> to vector<800x8x32xf32>
    %slice3A = vector.extract_strided_slice %reshape3A {offsets = [0, 0, 0], sizes = [800, 1, 32], strides = [1, 1, 1]} : vector<800x8x32xf32> to vector<800x1x32xf32>
    %squeeze3A = vector.shape_cast %slice3A : vector<800x1x32xf32> to vector<800x32xf32>
    %swap3A = arith.constant 0 : index
    %swap3A_10 = arith.constant 0 : index
    %swap3A_11 = vector.load %arg4[%swap3A, %swap3A_10] : memref<800x256xf32, #tpu.memory_space<vmem>>, vector<800x32xf32>
    tpu.vector_store %arg4[%swap3A, %swap3A_10], %squeeze3A {strides = array<i32>} : memref<800x256xf32, #tpu.memory_space<vmem>>, vector<800x32xf32>,
    %slice3A_12 = vector.extract_strided_slice %reshape3A {offsets = [0, 1, 0], sizes = [800, 1, 32], strides = [1, 1, 1]} : vector<800x8x32xf32> to vector<800x1x32xf32>
    %squeeze3A_13 = vector.shape_cast %slice3A_12 : vector<800x1x32xf32> to vector<800x32xf32>
    %swap3A_14 = arith.constant 0 : index
    %swap3A_15 = arith.constant 32 : index
    %swap3A_16 = vector.load %arg4[%swap3A_14, %swap3A_15] : memref<800x256xf32, #tpu.memory_space<vmem>>, vector<800x32xf32>
    tpu.vector_store %arg4[%swap3A_14, %swap3A_15], %squeeze3A_13 {strides = array<i32>} : memref<800x256xf32, #tpu.memory_space<vmem>>, vector<800x32xf32>,
    %slice3A_17 = vector.extract_strided_slice %reshape3A {offsets = [0, 2, 0], sizes = [800, 1, 32], strides = [1, 1, 1]} : vector<800x8x32xf32> to vector<800x1x32xf32>
    %squeeze3A_18 = vector.shape_cast %slice3A_17 : vector<800x1x32xf32> to vector<800x32xf32>
    %swap3A_19 = arith.constant 0 : index
    %swap3A_20 = arith.constant 64 : index
    %swap3A_21 = vector.load %arg4[%swap3A_19, %swap3A_20] : memref<800x256xf32, #tpu.memory_space<vmem>>, vector<800x32xf32>
    tpu.vector_store %arg4[%swap3A_19, %swap3A_20], %squeeze3A_18 {strides = array<i32>} : memref<800x256xf32, #tpu.memory_space<vmem>>, vector<800x32xf32>,
    %slice3A_22 = vector.extract_strided_slice %reshape3A {offsets = [0, 3, 0], sizes = [800, 1, 32], strides = [1, 1, 1]} : vector<800x8x32xf32> to vector<800x1x32xf32>
    %squeeze3A_23 = vector.shape_cast %slice3A_22 : vector<800x1x32xf32> to vector<800x32xf32>
    %swap3A_24 = arith.constant 0 : index
    %swap3A_25 = arith.constant 96 : index
    %swap3A_26 = vector.load %arg4[%swap3A_24, %swap3A_25] : memref<800x256xf32, #tpu.memory_space<vmem>>, vector<800x32xf32>
    tpu.vector_store %arg4[%swap3A_24, %swap3A_25], %squeeze3A_23 {strides = array<i32>} : memref<800x256xf32, #tpu.memory_space<vmem>>, vector<800x32xf32>,
    %slice3A_27 = vector.extract_strided_slice %reshape3A {offsets = [0, 4, 0], sizes = [800, 1, 32], strides = [1, 1, 1]} : vector<800x8x32xf32> to vector<800x1x32xf32>
    %squeeze3A_28 = vector.shape_cast %slice3A_27 : vector<800x1x32xf32> to vector<800x32xf32>
    %swap3A_29 = arith.constant 0 : index
    %swap3A_30 = arith.constant 128 : index
    %swap3A_31 = vector.load %arg4[%swap3A_29, %swap3A_30] : memref<800x256xf32, #tpu.memory_space<vmem>>, vector<800x32xf32>
    tpu.vector_store %arg4[%swap3A_29, %swap3A_30], %squeeze3A_28 {strides = array<i32>} : memref<800x256xf32, #tpu.memory_space<vmem>>, vector<800x32xf32>,
    %slice3A_32 = vector.extract_strided_slice %reshape3A {offsets = [0, 5, 0], sizes = [800, 1, 32], strides = [1, 1, 1]} : vector<800x8x32xf32> to vector<800x1x32xf32>
    %squeeze3A_33 = vector.shape_cast %slice3A_32 : vector<800x1x32xf32> to vector<800x32xf32>
    %swap3A_34 = arith.constant 0 : index
    %swap3A_35 = arith.constant 160 : index
    %swap3A_36 = vector.load %arg4[%swap3A_34, %swap3A_35] : memref<800x256xf32, #tpu.memory_space<vmem>>, vector<800x32xf32>
    tpu.vector_store %arg4[%swap3A_34, %swap3A_35], %squeeze3A_33 {strides = array<i32>} : memref<800x256xf32, #tpu.memory_space<vmem>>, vector<800x32xf32>,
    %slice3A_37 = vector.extract_strided_slice %reshape3A {offsets = [0, 6, 0], sizes = [800, 1, 32], strides = [1, 1, 1]} : vector<800x8x32xf32> to vector<800x1x32xf32>
    %squeeze3A_38 = vector.shape_cast %slice3A_37 : vector<800x1x32xf32> to vector<800x32xf32>
    %swap3A_39 = arith.constant 0 : index
    %swap3A_40 = arith.constant 192 : index
    %swap3A_41 = vector.load %arg4[%swap3A_39, %swap3A_40] : memref<800x256xf32, #tpu.memory_space<vmem>>, vector<800x32xf32>
    tpu.vector_store %arg4[%swap3A_39, %swap3A_40], %squeeze3A_38 {strides = array<i32>} : memref<800x256xf32, #tpu.memory_space<vmem>>, vector<800x32xf32>,
    %slice3A_42 = vector.extract_strided_slice %reshape3A {offsets = [0, 7, 0], sizes = [800, 1, 32], strides = [1, 1, 1]} : vector<800x8x32xf32> to vector<800x1x32xf32>
    %squeeze3A_43 = vector.shape_cast %slice3A_42 : vector<800x1x32xf32> to vector<800x32xf32>
    %swap3A_44 = arith.constant 0 : index
    %swap3A_45 = arith.constant 224 : index
    %swap3A_46 = vector.load %arg4[%swap3A_44, %swap3A_45] : memref<800x256xf32, #tpu.memory_space<vmem>>, vector<800x32xf32>
    tpu.vector_store %arg4[%swap3A_44, %swap3A_45], %squeeze3A_43 {strides = array<i32>} : memref<800x256xf32, #tpu.memory_space<vmem>>, vector<800x32xf32>,
    return
  }
  func.func @transform_0(%arg0: i32) -> (i32, i32) {
    %c0_i32 = arith.constant 0 : i32
    %c0_i32_0 = arith.constant 0 : i32
    return %c0_i32, %arg0 : i32, i32
  }
  func.func @transform_1(%arg0: i32) -> (i32, i32) {
    %c0_i32 = arith.constant 0 : i32
    %c0_i32_0 = arith.constant 0 : i32
    %c0_i32_1 = arith.constant 0 : i32
    return %c0_i32, %c0_i32_0 : i32, i32
  }
  func.func @transform_2(%arg0: i32) -> (i32, i32) {
    %c0_i32 = arith.constant 0 : i32
    %c0_i32_0 = arith.constant 0 : i32
    %c0_i32_1 = arith.constant 0 : i32
    return %c0_i32, %c0_i32_0 : i32, i32
  }
  func.func @transform_3(%arg0: i32) -> (i32, i32) {
    %c0_i32 = arith.constant 0 : i32
    %c0_i32_0 = arith.constant 0 : i32
    return %arg0, %c0_i32 : i32, i32
  }
}

module attributes {stable_mosaic.version = 14 : i64} {
  func.func @_post_body(%arg0: i32, %arg1: memref<2000x128xf32, #tpu.memory_space<vmem>>, %arg2: memref<2x2000x32xf32, #tpu.memory_space<vmem>>, %arg3: memref<128x128xf32, #tpu.memory_space<vmem>>, %arg4: memref<32x128xf32, #tpu.memory_space<vmem>>, %arg5: memref<1x128xf32, #tpu.memory_space<vmem>>, %arg6: memref<2000x128xf32, #tpu.memory_space<vmem>>) attributes {dimension_semantics = [#tpu.dimension_semantics<arbitrary>], iteration_bounds = array<i64: 5>, scalar_prefetch = 0 : i64, scratch_operands = 0 : i64, tpu.core_type = #tpu.core_type<tc>, window_params = [{transform_indices = @transform_0, window_bounds = array<i64: 2000, 128>}, {transform_indices = @transform_1, window_bounds = array<i64: 2, 2000, 32>}, {pipeline_mode = #tpu.pipeline_mode<synchronous>, transform_indices = @transform_2, window_bounds = array<i64: 128, 128>}, {pipeline_mode = #tpu.pipeline_mode<synchronous>, transform_indices = @transform_3, window_bounds = array<i64: 32, 128>}, {pipeline_mode = #tpu.pipeline_mode<synchronous>, transform_indices = @transform_4, window_bounds = array<i64: 1, 128>}, {transform_indices = @transform_5, window_bounds = array<i64: 2000, 128>}]} {
    %get3A = arith.constant 0 : index
    %get3A_0 = arith.constant 0 : index
    %get3A_1 = arith.constant 0 : index
    %get3A_2 = vector.load %arg2[%get3A, %get3A_0, %get3A_1] : memref<2x2000x32xf32, #tpu.memory_space<vmem>>, vector<1x2000x32xf32>
    %get3A_3 = vector.shape_cast %get3A_2 : vector<1x2000x32xf32> to vector<2000x32xf32>
    %get3A_4 = arith.constant 1 : index
    %get3A_5 = arith.constant 0 : index
    %get3A_6 = arith.constant 0 : index
    %get3A_7 = vector.load %arg2[%get3A_4, %get3A_5, %get3A_6] : memref<2x2000x32xf32, #tpu.memory_space<vmem>>, vector<1x2000x32xf32>
    %get3A_8 = vector.shape_cast %get3A_7 : vector<1x2000x32xf32> to vector<2000x32xf32>
    %add3A = arith.addf %get3A_3, %get3A_8 : vector<2000x32xf32>
    %get3A_9 = arith.constant 0 : index
    %get3A_10 = arith.constant 0 : index
    %get3A_11 = vector.load %arg1[%get3A_9, %get3A_10] : memref<2000x128xf32, #tpu.memory_space<vmem>>, vector<2000x128xf32>
    %get3A_12 = arith.constant 0 : index
    %get3A_13 = arith.constant 0 : index
    %get3A_14 = vector.load %arg3[%get3A_12, %get3A_13] : memref<128x128xf32, #tpu.memory_space<vmem>>, vector<128x128xf32>
    %dot_general3A = arith.constant dense<0.000000e+00> : vector<2000x128xf32>
    %dot_general3A_15 = tpu.matmul %get3A_11, %get3A_14, %dot_general3A {dimension_numbers = #tpu.dot_dimension_numbers<[1], [0], [0], [1], [0, 0, 1, 1], [], []>, transpose_lhs_hint = false} : vector<2000x128xf32>, vector<128x128xf32>, vector<2000x128xf32> -> vector<2000x128xf32>
    %get3A_16 = arith.constant 0 : index
    %get3A_17 = arith.constant 0 : index
    %get3A_18 = vector.load %arg4[%get3A_16, %get3A_17] : memref<32x128xf32, #tpu.memory_space<vmem>>, vector<32x128xf32>
    %dot_general3A_19 = arith.constant dense<0.000000e+00> : vector<2000x128xf32>
    %dot_general3A_20 = tpu.matmul %add3A, %get3A_18, %dot_general3A_19 {dimension_numbers = #tpu.dot_dimension_numbers<[1], [0], [0], [1], [0, 0, 1, 1], [], []>, transpose_lhs_hint = false} : vector<2000x32xf32>, vector<32x128xf32>, vector<2000x128xf32> -> vector<2000x128xf32>
    %add3A_21 = arith.addf %dot_general3A_15, %dot_general3A_20 : vector<2000x128xf32>
    %get3A_22 = arith.constant 0 : index
    %get3A_23 = arith.constant 0 : index
    %get3A_24 = vector.load %arg5[%get3A_22, %get3A_23] : memref<1x128xf32, #tpu.memory_space<vmem>>, vector<1x128xf32>
    %add3A_25 = vector.broadcast %get3A_24 : vector<1x128xf32> to vector<2000x128xf32>
    %add3A_26 = arith.addf %add3A_21, %add3A_25 : vector<2000x128xf32>
    %max3A = arith.constant 0.000000e+00 : f32
    %max3A_27 = vector.broadcast %max3A : f32 to vector<2000x128xf32>
    %max3A_28 = arith.maximumf %add3A_26, %max3A_27 : vector<2000x128xf32>
    %swap3A = arith.constant 0 : index
    %swap3A_29 = arith.constant 0 : index
    %swap3A_30 = vector.load %arg6[%swap3A, %swap3A_29] : memref<2000x128xf32, #tpu.memory_space<vmem>>, vector<2000x128xf32>
    tpu.vector_store %arg6[%swap3A, %swap3A_29], %max3A_28 {strides = array<i32>} : memref<2000x128xf32, #tpu.memory_space<vmem>>, vector<2000x128xf32>,
    return
  }
  func.func @transform_0(%arg0: i32) -> (i32, i32) {
    %c0_i32 = arith.constant 0 : i32
    %c0_i32_0 = arith.constant 0 : i32
    return %arg0, %c0_i32 : i32, i32
  }
  func.func @transform_1(%arg0: i32) -> (i32, i32, i32) {
    %c0_i32 = arith.constant 0 : i32
    %c0_i32_0 = arith.constant 0 : i32
    %c0_i32_1 = arith.constant 0 : i32
    return %c0_i32, %arg0, %c0_i32_0 : i32, i32, i32
  }
  func.func @transform_2(%arg0: i32) -> (i32, i32) {
    %c0_i32 = arith.constant 0 : i32
    %c0_i32_0 = arith.constant 0 : i32
    %c0_i32_1 = arith.constant 0 : i32
    return %c0_i32, %c0_i32_0 : i32, i32
  }
  func.func @transform_3(%arg0: i32) -> (i32, i32) {
    %c0_i32 = arith.constant 0 : i32
    %c0_i32_0 = arith.constant 0 : i32
    %c0_i32_1 = arith.constant 0 : i32
    return %c0_i32, %c0_i32_0 : i32, i32
  }
  func.func @transform_4(%arg0: i32) -> (i32, i32) {
    %c0_i32 = arith.constant 0 : i32
    %c0_i32_0 = arith.constant 0 : i32
    %c0_i32_1 = arith.constant 0 : i32
    return %c0_i32, %c0_i32_0 : i32, i32
  }
  func.func @transform_5(%arg0: i32) -> (i32, i32) {
    %c0_i32 = arith.constant 0 : i32
    %c0_i32_0 = arith.constant 0 : i32
    return %arg0, %c0_i32 : i32, i32
  }
}

</mosaic_0001>

<sc_bundles>
// kernel: kernel.6.cloned.1.call-start
scs
__scs_entry_jumppad:
0x0: {  	(pc) =	sbr.rel $0x88, $3  }
0x1: {  	(tag) =	ssettag $0x0;
	lr =	simm.s32 $0x1  }
0x2: {  	[smem:$0x3F9A] =	sst lr;
	_ =	strace $0xD0000000  }
0x3: {  	_ = 	snop  }
0x4: {  	_ = 	snop  }
0x5: {  	_ = 	snop  }
0x6: {  	_ = 	snop  }
0x7: {  	_ = 	snop  }
__scs_overlays_trampoline_lowered:
0x8: {  	[smem:$0x3FA9] =	sst s0  }
0x9: {  	[smem:$0x3FAA] =	sst s1  }
0xa: {  	[smem:$0x3FAB] =	sst s2  }
0xb: {  	[smem:$0x3FAC] =	sst s3  }
0xc: {  	[smem:$0x3FAD] =	sst s4  }
0xd: {  	[smem:$0x3FAE] =	sst s5  }
0xe: {  	[smem:$0x3FAF] =	sst s6  }
0xf: {  	[smem:$0x3FB0] =	sst s7  }
0x10: {  	[smem:$0x3FB1] =	sst s8  }
0x11: {  	[smem:$0x3FB2] =	sst s9;
	s0 =	simm.s32 @!p0 $0x0  }
0x12: {  	s1 =	sld [smem:$0x3F98];
	s0 =	simm.s32 @p0 $0x1  }
0x13: {  	[smem:$0x3FB3] =	sst s0;
	s0 =	simm.s32 @!p1 $0x0  }
0x14: {  	s2 =	sld [smem:$0x3F97];
	s0 =	simm.s32 @p1 $0x1  }
0x15: {  	[smem:$0x3FB4] =	sst s0;
	s0 =	simm.s32 @!p2 $0x0  }
0x16: {  	s3 =	sld [smem:$0x3FDB];
	s0 =	simm.s32 @p2 $0x1  }
0x17: {  	s4 =	simm.s32 $0x1BF5;
	[smem:$0x3FB6] =	sst s0  }
0x18: {  	s0 =	sld [smem:$0x3F99];
	_ =	swait.ge [sflag:s4], $0x0  }
0x19: {  	s7 =	sld [smem:$0x3F9A]  }
0x1a: {  	s8 =	sadd.s32 $0xFFFFE003, lr  }
0x1b: {  	s9 =	sadd.s32 $0xFFFFFEF7, lr;
	s5 =	simm.s32 $0xFFFFFFFF;
	p2 =	slt.u32 s8, $0xFFFFF086  }
0x1c: {  	p1 =	slt.u32 s9, $0xF7A;
	s5 =	simm.s32 @!p2 $0x0  }
0x1d: {  	s5 =	simm.s32 @p1 $0x1;
	p0 =	seq.s32 s7, s2  }
0x1e: {  	s7 =	smul.u32 @!p0 $0xF7A, s2;
	p2 =	seq.s32 @!p0 s5, $0x0  }
0x1f: {  	s9 =	smul.u32 $0xF7A, s1;
	s8 =	simm.s32 @!p0 $0x1BF5;
	p2 =	por !p2, p0  }
0x20: {  	[sflag:s8] =	ssyncset.s32 @!p0 $0xFFFFF086;
	s6 =	sadd.s32 @!p0 s3, s7;
	s7 =	simm.s32 @!p0 $0x108  }
0x21: {  	s3 =	sadd.s32 s3, s9;
	s6 =	sadd.s32 @!p0 $0x88, s6;
	s7 =	simm.s32 @p2 $0x1082  }
0x22: {  	[simem:s7], [sflag:s8] =	dma.local @!p0 [hbm:s6], $0xF7A  }
0x23: {  	s9 =	sor.u32 $0xD0000000, s2;
	s6 =	simm.s32 $0x108;
	_ =	swait.ge @!p0 [sflag:s8], $0x0  }
0x24: {  	s3 =	sadd.s32 $0x88, s3;
	s6 =	simm.s32 @!p1 $0x1082;
	[sflag:s4] =	ssyncset.s32 $0xFFFFF086  }
0x25: {  	[simem:s6], [sflag:s4] =	dma.local [hbm:s3], $0xF7A  }
0x26: {  	[smem:$0x3F9A] =	sst s1;
	(tag) =	ssettag s2;
	_ =	strace s9  }
0x27: {  	s1 =	sld [smem:$0x3FAA]  }
0x28: {  	s2 =	sld [smem:$0x3FAB]  }
0x29: {  	s4 =	sld [smem:$0x3FAD]  }
0x2a: {  	p0 =	seq.s32 s5, $0x0;
	s5 =	sld [smem:$0x3FAE]  }
0x2b: {  	s6 =	sld [smem:$0x3FAF]  }
0x2c: {  	s7 =	sld [smem:$0x3FB0]  }
0x2d: {  	s3 =	simm.s32 $0x108;
	s8 =	sld [smem:$0x3FB1]  }
0x2e: {  	s3 =	simm.s32 @!p0 $0x1082;
	s9 =	sld [smem:$0x3FB2]  }
0x2f: {  	lr =	sadd.s32 s0, s3;
	s0 =	sld [smem:$0x3FA9]  }
0x30: {  	s3 =	sld [smem:$0x3FAC]  }
0x31: {  	[smem:$0x3FB5] =	sst s10  }
0x32: {  	s10 =	sld [smem:$0x3FB3];
	_ =	sdelay $0x3  }
0x33: {  	p0 =	seq.s32 s10, $0x1;
	s10 =	sld [smem:$0x3FB5];
	_ =	sdelay $0x3  }
0x34: {  	[smem:$0x3FB5] =	sst s10  }
0x35: {  	s10 =	sld [smem:$0x3FB4];
	_ =	sdelay $0x3  }
0x36: {  	p1 =	seq.s32 s10, $0x1;
	s10 =	sld [smem:$0x3FB5];
	_ =	sdelay $0x3  }
0x37: {  	[smem:$0x3FB5] =	sst s10  }
0x38: {  	s10 =	sld [smem:$0x3FB6]  }
0x39: {  	_ = 	snop;
	(pc) =	sbr.ind lr, $3  }
0x3a: {  	_ = 	snop  }
0x3b: {  	_ = 	snop  }
0x3c: {  	p2 =	seq.s32 s10, $0x1;
	s10 =	sld [smem:$0x3FB5]  }
0x3d: {  	_ =	shalt  }
0x3e: {  	_ =	shalt  }
0x3f: {  	_ =	shalt  }
0x40: {  	_ =	shalt  }
0x41: {  	_ =	shalt  }
0x42: {  	_ =	shalt  }
0x43: {  	_ =	shalt  }
0x44: {  	_ =	shalt  }
0x45: {  	_ =	shalt  }
0x46: {  	_ =	shalt  }
0x47: {  	_ =	shalt  }
0x48: {  	_ =	shalt  }
0x49: {  	_ =	shalt  }
0x4a: {  	_ =	shalt  }
0x4b: {  	_ =	shalt  }
0x4c: {  	_ =	shalt  }
0x4d: {  	_ =	shalt  }
0x4e: {  	_ =	shalt  }
0x4f: {  	_ =	shalt  }
0x50: {  	_ =	shalt  }
0x51: {  	_ =	shalt  }
0x52: {  	_ =	shalt  }
0x53: {  	_ =	shalt  }
0x54: {  	_ =	shalt  }
0x55: {  	_ =	shalt  }
0x56: {  	_ =	shalt  }
0x57: {  	_ =	shalt  }
0x58: {  	_ =	shalt  }
0x59: {  	_ =	shalt  }
0x5a: {  	_ =	shalt  }
0x5b: {  	_ =	shalt  }
0x5c: {  	_ =	shalt  }
0x5d: {  	_ =	shalt  }
0x5e: {  	_ =	shalt  }
0x5f: {  	_ =	shalt  }
0x60: {  	_ =	shalt  }
0x61: {  	_ =	shalt  }
0x62: {  	_ =	shalt  }
0x63: {  	_ =	shalt  }
0x64: {  	_ =	shalt  }
0x65: {  	_ =	shalt  }
0x66: {  	_ =	shalt  }
0x67: {  	_ =	shalt  }
0x68: {  	_ =	shalt  }
0x69: {  	_ =	shalt  }
0x6a: {  	_ =	shalt  }
0x6b: {  	_ =	shalt  }
0x6c: {  	_ =	shalt  }
0x6d: {  	_ =	shalt  }
0x6e: {  	_ =	shalt  }
0x6f: {  	_ =	shalt  }
0x70: {  	_ =	shalt  }
0x71: {  	_ =	shalt  }
0x72: {  	_ =	shalt  }
0x73: {  	_ =	shalt  }
0x74: {  	_ =	shalt  }
0x75: {  	_ =	shalt  }
0x76: {  	_ =	shalt  }
0x77: {  	_ =	shalt  }
0x78: {  	_ =	shalt  }
0x79: {  	_ =	shalt  }
0x7a: {  	_ =	shalt  }
0x7b: {  	_ =	shalt  }
0x7c: {  	_ =	shalt  }
0x7d: {  	_ =	shalt  }
0x7e: {  	_ =	shalt  }
0x7f: {  	_ =	shalt  }
0x80: {  	_ =	shalt  }
0x81: {  	_ =	shalt  }
0x82: {  	_ =	shalt  }
0x83: {  	_ =	shalt  }
0x84: {  	_ =	shalt  }
0x85: {  	_ =	shalt  }
0x86: {  	_ =	shalt  }
0x87: {  	_ =	shalt  }
.Lfunc_end0:
.L_simem_size_0:
called_computation.1_lowered:
.L_overlay_start_0:
0x88: {  	s2 =	sld [smem:$0x3FD9]  }
0x89: {  	s3 =	sld [smem:$0x3FFE];
	_ =	sdelay $0x1  }
0x8a: {  	s1 =	srdreg.scid  }
0x8b: {  	s0 =	sand.u32 $0x1, s1  }
0x8c: {  	s17 =	sshll.u32 s0, $0xA;
	s2 =	sadd.s32 s3, s2  }
0x8d: {  	s2 =	sadd.s32 s2, s17  }
0x8e: {  	[smem:$0x3FC1] =	sst s2  }
0x8f: {  	_ = 	snop  }
0x90: {  	s2 =	sld [smem:$0x3FD0];
	(tm) =	ssettm $0x1  }
0x91: {  	s18 =	sld [smem:$0x3FFB];
	_ =	sdelay $0x3  }
0x92: {  	_ =	strace s18  }
0x93: {  	s3 =	sld [smem:$0x3FFC];
	_ =	sdelay $0x3  }
0x94: {  	_ =	strace s3  }
0x95: {  	s3 =	sld [smem:$0x3FFD];
	_ =	sdelay $0x3  }
0x96: {  	_ =	strace s3  }
0x97: {  	_ =	strace $0x8FFFFFFF  }
0x98: {  	s19 =	sld [smem:$0x3FDB];
	_ =	sdelay $0x1  }
0x99: {  	s4 =	simm.s32 $_scs_section_size  }
0x9a: {  	s5 =	simm.s32 $_size__tile_overlayer_lowered;
	s6 =	simm.s32 $_tile_overlayer_lowered  }
0x9b: {  	s22 =	simm.s32 $0x1BFF;
	s21 =	sshll.u32 s6, $0x1;
	s3 =	sadd.s32 s4, s19  }
0x9c: {  	s7 =	simm.s32 $0x0;
	s20 =	sshll.u32 s5, $0x1;
	s5 =	sadd.s32 s21, s3  }
0x9d: {  	[timem:s7], [sflag:s22] =	dma.local [hbm:s5], s20  }
0x9e: {  	_ =	swait.ge [sflag:s22], s20  }
0x9f: {  	s4 =	ssub.s32 $0x0, s20;
	[sflag:s22] =	ssyncset.done $0x0  }
0xa0: {  	[sflag:s22] =	ssyncadd.s32 s4;
	_ =	sdelay $0x1  }
0xa1: {  	s23 =	simm.s32 $0x1B8B  }
0xa2: {  	_ =	swait.ge [sflag:s23], $0x1  }
0xa3: {  	[sflag:s23] =	ssyncset.done $0x0  }
0xa4: {  	s25 =	simm.s32 $0x1B8E;
	s24 =	sld [smem:$0x3FFE];
	[sflag:s23] =	ssyncadd.s32 $0xFFFFFFFF  }
0xa5: {  	s26 =	simm.s32 $execute0_lowered;
	[smem:$0x3FD2] =	sst s25  }
0xa6: {  	s5 =	sshll.u32 s26, $0x1;
	_ =	strace $0x80000049;
	[dreg:$0x1] =	wrdreg $0xFFFFFFFF  }
0xa7: {  	s28 =	simm.s32 $_size_execute0_lowered;
	s3 =	sadd.s32 s3, s5;
	[dreg:$0x0] =	wrdreg $0x0  }
0xa8: {  	s5 =	sshll.u32 s28, $0x1;
	[dreg:$0x2] =	wrdreg s3  }
0xa9: {  	[dreg:$0x3] =	wrdreg s5  }
0xaa: {  	[dreg:$0x4] =	wrdreg $0xC0  }
0xab: {  	_ =	task [dreg:s7], $0x5FFFF  }
0xac: {  	[dreg:$0x1] =	wrdreg $0xFFFFFFFF  }
0xad: {  	[dreg:$0x0] =	wrdreg $0x60  }
0xae: {  	[dreg:$0x2] =	wrdreg s24  }
0xaf: {  	[dreg:$0x3] =	wrdreg s2  }
0xb0: {  	[dreg:$0x4] =	wrdreg $0xB8200  }
0xb1: {  	[dreg:$0x5] =	wrdreg $0x9  }
0xb2: {  	_ =	task.clear_ibuf [dreg:s7], $0x6FFFF;
	_ =	strace $0x90000049  }
0xb3: {  	s29 =	simm.s32 $0x9;
	_ =	strace $0x8000004B  }
0xb4: {  	_ =	swait.ge [sflag:s29], $0x1  }
0xb5: {  	[sflag:s29] =	ssyncadd.s32 $0xFFFFFFFF  }
0xb6: {  	_ =	strace $0x9000004B  }
0xb7: {  	_ =	sfence  }
0xb8: {  	s30 =	sld [smem:$0x0];
	_ =	sdelay $0x2  }
0xb9: {  	s31 =	sshll.u32 s1, $0xD;
	s1 =	sshrl.u32 s1, $0x2  }
0xba: {  	s3 =	sand.u32 $0x4000, s31;
	s1 =	sadd.s32 s1, s30  }
0xbb: {  	s0 =	sor.u32 s3, s0;
	s1 =	sshll.u32 s1, $0x11  }
0xbc: {  	s0 =	sor.u32 s1, s0  }
0xbd: {  	s0 =	sadd.s32 $0x8F2B, s0  }
0xbe: {  	[sflag:s0] =	ssyncadd.remote.s32 $0x1  }
0xbf: {  	_ =	sfence.sel $0xFFFF  }
0xc0: {  	[dreg:$0x0] =	wrdreg $0xFFFFFFFF;
	(pc) =	sbr.abs _section_cstart, $3  }
0xc1: {  	[dreg:$0x1] =	wrdreg $0xFFFFFFFF  }
0xc2: {  	_ =	task.clear_ibuf [dreg:s7], $0x2FFFF;
	_ =	strace $0x9FFFFFFF  }
0xc3: {  	(tm) =	ssettm $0x7FFFFFFF  }
tec
execute0_lowered:
.L_overlay_start_1:
0x0: {  	(tag) =	ssettag $0x1  }
0x1: {  	s0 =	rddreg [dreg:$0x0]  }
0x2: {  	s3 =	rddreg [dreg:$0x1]  }
0x3: {  	s1 =	rddreg [dreg:$0x2];
	s2 =	srdreg.scid  }
0x4: {  	s14 =	stileid.u32;
	s22 =	simm.s32 $0x7620;
	s28 =	simm.s32 $0x8020  }
0x5: {  	s29 =	simm.s32 $0x5820;
	s31 =	simm.s32 $0x6C20;
	s30 =	simm.s32 $0x8A20  }
0x6: {  	s8 =	sand.u32 $0x1, s2;
	s2 =	simm.s32 $0x0;
	s5 =	sadd.s32 $0x27CE00, s0  }
0x7: {  	s6 =	sadd.s32 $0x273000, s0;
	s7 =	sadd.s32 $0x13A800, s0;
	s16 =	smul.u32 $0x4E00, s14  }
0x8: {  	s0 =	sadd.s32 $0x2000, s0;
	s18 =	smul.u32 $0x13800, s14;
	s4 =	sshll.u32 s8, $0x4  }
0x9: {  	s12 =	ssub.s32 $0x2, s8;
	s8 =	smul.u32 $0x4E200, s8;
	s9 =	sor.u32 s14, s4  }
0xa: {  	p0 =	sne.s32 s14, $0x0;
	[smem:$0x7FF] =	sst s2;
	s4 =	smul.u32 $0x7D, s9  }
0xb: {  	_ =	strace $0x8000004A;
	s13 =	sshrl.u32 s12, $0x1;
	s10 =	smul.u32 $0x2710, s9  }
0xc: {  	s20 =	sshrl.u32 s18, $0x2;
	s21 =	sadd.s32 s16, s1;
	s11 =	smul.u32 $0x9C40, s9  }
0xd: {  	s9 =	smul.u32 $0x4E200, s9;
	s15 =	ssub.s32 s12, s13;
	s17 =	sadd.s32 s16, s8  }
0xe: {  	s23 =	sadd.s32 s20, s1;
	s26 =	sshrl.u32 s21, $0x3;
	s12 =	simm.s32 $0x0  }
0xf: {  	s19 =	sshrl.u32 s17, $0x3;
	s24 =	smax.u32 s15, $0x1;
	[dreg:$0xa] =	wrdreg s23  }
0x10: {  	s25 =	sadd.s32 $0x1A00, s23;
	s15 =	simm.s32 $0x2710;
	[dreg:$0xe] =	wrdreg s26  }
0x11: {  	s26 =	simm.s32 $0x6220;
	s10 =	sshrl.u32 s10, $0x3;
	[dreg:$0xb] =	wrdreg s24  }
0x12: {  	s11 =	sadd.s32 s7, s11;
	s9 =	sshrl.u32 s9, $0x3;
	[dreg:$0xc] =	wrdreg s25  }
0x13: {  	s24 =	simm.s32 $0x4E20;
	s10 =	sadd.s32 s3, s10;
	[dreg:$0x6] =	wrdreg s11  }
0x14: {  	s9 =	sadd.s32 s7, s9;
	[dreg:$0x4] =	wrdreg s10;
	s10 =	sadd.s32 $0x9C40, s10  }
0x15: {  	s3 =	sshrl.u32 s8, $0x3;
	s9 =	sadd.s32 $0x140, s9;
	[dreg:$0x5] =	wrdreg s10  }
0x16: {  	s11 =	simm.s32 $0x3;
	s10 =	sadd.s32 $0x4E000, s1;
	[dreg:$0x7] =	wrdreg s9  }
0x17: {  	s9 =	sadd.s32 s0, s19;
	s0 =	sadd.s32 s0, s3;
	s19 =	simm.s32 $0x5  }
0x18: {  	s3 =	simm.s32 $0x2;
	[dreg:$0x8] =	wrdreg s9;
	s0 =	sadd.s32 $0x9C00, s0  }
0x19: {  	s9 =	simm.s32 $0x9420;
	[dreg:$0x9] =	wrdreg s0;
	s0 =	sadd.s32 $0x3400, s23  }
0x1a: {  	v0 =	vimm.f32 $0.0e+00;
	s23 =	simm.s32 $0x50;
	[dreg:$0xd] =	wrdreg s0;
	s0 =	simm.s32 $0x1  }
.LBB2_1:
0x1b: {  	s8 =	rddreg [dreg:$0x4]  }
0x1c: {  	[tilespmem:s2], [sflag:$0x5] =	stream.linear.gather [hbm4b:s8+s2], $0x2710, $0x38;
	[tilespmem:$0x10640] =	vst v63  }
0x1d: {  	_ =	swait.ge [sflag:s19], $0x2710  }
0x1e: {  	[sflag:s19] =	ssyncset.done $0x0  }
0x1f: {  	s25 =	rddreg [dreg:$0x5];
	[sflag:s19] =	ssyncadd.s32 $0xFFFFD8F0  }
0x20: {  	[tilespmem:s15], [sflag:$0x5] =	stream.linear.gather [hbm4b:s25+s2], $0x2710, $0x38;
	[tilespmem:$0x10640] =	vst v63  }
0x21: {  	_ =	swait.ge [sflag:s19], $0x2710  }
0x22: {  	[sflag:s19] =	ssyncset.done $0x0  }
0x23: {  	s13 =	simm.s32 $0x0;
	s8 =	simm.s32 $0x80;
	[sflag:s19] =	ssyncadd.s32 $0xFFFFD8F0  }
.LBB2_2:
0x24: {  	p1 =	sne.s32 s8, $0x6780;
	[tilespmem:s13+$0x9E20] =	vst v0;
	s14 =	smov.u32 s8;
	s8 =	sadd.s32 $0x80, s8  }
.Ltmp0:
0x25: {  	[tilespmem:s13+$0x9E30] =	vst v0;
	(pc) =	sbr.rel @p1 .LBB2_2-.Ltmp0, $2  }
0x26: {  	_ =	sdelay $0x2  }
0x27: {  	s13 =	sshra.s32 s14, $0x2  }
0x28: {  	[tilespmem:s13+$0x9E20] =	vst v0  }
0x29: {  	[tilespmem:s13+$0x9E30] =	vst v0;
	s8 =	rddreg [dreg:$0xa];
	s16 =	simm.s32 $0x9E20  }
0x2a: {  	[spmem:s8] =	stream.linear.scatter [tilespmem:s16], [sflag:$0x5], $0x1A00, $0x38;
	[tilespmem:$0x10640] =	vst v63  }
0x2b: {  	_ =	swait.ge [sflag:s19], $0x1A00  }
0x2c: {  	[sflag:s19] =	ssyncset.done $0x0  }
0x2d: {  	s17 =	rddreg [dreg:$0xc];
	[sflag:s19] =	ssyncadd.s32 $0xFFFFE600  }
0x2e: {  	[spmem:s17] =	stream.linear.scatter [tilespmem:s16], [sflag:$0x5], $0x1A00, $0x38;
	[tilespmem:$0x10640] =	vst v63  }
0x2f: {  	_ =	swait.ge [sflag:s19], $0x1A00  }
0x30: {  	[sflag:s19] =	ssyncset.done $0x0  }
0x31: {  	s18 =	rddreg [dreg:$0xd];
	[sflag:s19] =	ssyncadd.s32 $0xFFFFE600  }
0x32: {  	[spmem:s18] =	stream.linear.scatter [tilespmem:s16], [sflag:$0x5], $0x1A00, $0x38;
	[tilespmem:$0x10640] =	vst v63  }
0x33: {  	_ =	swait.ge [sflag:s19], $0x1A00  }
0x34: {  	[sflag:s19] =	ssyncset.done $0x0  }
0x35: {  	s8 =	simm.s32 @!p0 $0x9E20;
	[sflag:s19] =	ssyncadd.s32 $0xFFFFE600  }
0x36: {  	[spmem:s10] =	stream.linear.scatter @!p0 [tilespmem:s8], [sflag:$0x5], $0x200, $0x38;
	[tilespmem:$0x10640] =	vst v63  }
0x37: {  	s8 =	simm.s32 @!p0 $0x5  }
0x38: {  	_ =	swait.ge @!p0 [sflag:s8], $0x200  }
0x39: {  	[sflag:s8] =	ssyncset.done @!p0 $0x0  }
0x3a: {  	[sflag:s8] =	ssyncadd.s32 @!p0 $0xFFFFFE00  }
0x3b: {  	[bflag:$0x0] =	sbarrier.arrive $0xFFFF  }
0x3c: {  	s13 =	simm.s32 $0x0;
	s20 =	rddreg [dreg:$0x6]  }
0x3d: {  	[tilespmem:s22], [sflag:$0x1] =	stream.linear.gather [hbm4b:s20+s13], $0xA00, $0x38;
	[tilespmem:$0x10640] =	vst v63  }
0x3e: {  	_ = 	snop  }
0x3f: {  	[tilespmem:s24], [sflag:$0x1] =	stream.indirect.gather [hbm4b:s5+s23], $0x20, s13, s23, $0xb8;
	[tilespmem:$0x10640] =	vst v63  }
0x40: {  	_ = 	snop  }
0x41: {  	[tilespmem:s26], [sflag:$0x1] =	stream.indirect.gather [hbm4b:s6+s23], $0x20, s15, s23, $0xb8;
	[tilespmem:$0x10640] =	vst v63  }
0x42: {  	s21 =	rddreg [dreg:$0x7]  }
0x43: {  	[tilespmem:s28], [sflag:$0x2] =	stream.linear.gather [hbm4b:s21+s13], $0xA00, $0x38;
	[tilespmem:$0x10640] =	vst v63  }
0x44: {  	_ = 	snop  }
0x45: {  	[tilespmem:s29], [sflag:$0x2] =	stream.indirect.gather [hbm4b:s5+s23], $0x20, s23, s23, $0xb8;
	[tilespmem:$0x10640] =	vst v63  }
0x46: {  	s25 =	simm.s32 $0x2760  }
0x47: {  	[tilespmem:s31], [sflag:$0x2] =	stream.indirect.gather [hbm4b:s6+s23], $0x20, s25, s23, $0xb8;
	[tilespmem:$0x10640] =	vst v63  }
.LBB2_4:
0x48: {  	_ =	swait.ge [sflag:s0], $0xA00  }
0x49: {  	[sflag:s0] =	ssyncset.done $0x0  }
0x4a: {  	[sflag:s0] =	ssyncadd.s32 $0xFFFFF600  }
0x4b: {  	_ =	swait.ge [sflag:s0], $0xA00  }
0x4c: {  	[sflag:s0] =	ssyncset.done $0x0  }
0x4d: {  	[sflag:s0] =	ssyncadd.s32 $0xFFFFF600  }
0x4e: {  	_ =	swait.ge [sflag:s0], $0xA00  }
0x4f: {  	p1 =	seq.s32 s13, $0x0;
	[sflag:s0] =	ssyncset.done $0x0  }
0x50: {  	s8 =	simm.s32 @!p1 $0x3;
	[sflag:s0] =	ssyncadd.s32 $0xFFFFF600  }
0x51: {  	_ =	swait.ge @!p1 [sflag:s8], $0xA00  }
0x52: {  	[sflag:s8] =	ssyncset.done @!p1 $0x0  }
0x53: {  	s25 =	simm.s32 $0x4EA0;
	[sflag:s8] =	ssyncadd.s32 @!p1 $0xFFFFF600  }
0x54: {  	s17 =	simm.s32 $0x62A0;
	v1 =	vld [tilespmem:s25+$0x60]  }
0x55: {  	v2 =	vld [tilespmem:s17+$0x60]  }
0x56: {  	s18 =	simm.s32 $0x76A0;
	v3 =	vld [tilespmem:s17+$0xFFFFFF80]  }
0x57: {  	v4 =	vld [tilespmem:s18+$0x60]  }
0x58: {  	v5 =	vld [tilespmem:s25+$0xFFFFFFA0]  }
0x59: {  	v6 =	vld [tilespmem:s17+$0xFFFFFFA0]  }
0x5a: {  	v7 =	vld [tilespmem:s25+$0xFFFFFFC0]  }
0x5b: {  	v8 =	vld [tilespmem:s25+$0xFFFFFFE0]  }
0x5c: {  	v9 =	vld [tilespmem:s25+$0x0]  }
0x5d: {  	v10 =	vld [tilespmem:s17+$0x0]  }
0x5e: {  	v12 =	vld [tilespmem:s25+$0x20]  }
0x5f: {  	v14 =	vld [tilespmem:s25+$0xFFFFFF80]  }
0x60: {  	v15 =	vld [tilespmem:s17+$0x20]  }
0x61: {  	v16 =	vld [tilespmem:s18+$0xFFFFFF80]  }
0x62: {  	v17 =	vld [tilespmem:s25+$0x40]  }
0x63: {  	v18 =	vld [tilespmem:s18+$0xFFFFFFA0]  }
0x64: {  	v19 =	vld [tilespmem:s17+$0x40]  }
0x65: {  	v1 =	vadd.f32 v2, v1;
	v2 =	vld [tilespmem:s17+$0xFFFFFFC0]  }
0x66: {  	v59 =	vld [tilespmem:s18+$0x0];
	v3 =	vadd.f32 v3, v14  }
0x67: {  	v14 =	vld [tilespmem:s18+$0xFFFFFFC0];
	v1 =	vadd.f32 v4, v1  }
0x68: {  	v5 =	vadd.f32 v6, v5;
	v6 =	vld [tilespmem:s18+$0xFFFFFFE0];
	v3 =	vadd.f32 v16, v3  }
0x69: {  	s16 =	simm.s32 $0x8AA0;
	v4 =	vld [tilespmem:s17+$0xFFFFFFE0];
	v1 =	vmax.f32 v1, $0.0e+00  }
0x6a: {  	v3 =	vmax.f32 v3, $0.0e+00;
	[tilespmem:s16+$0x60] =	vst v1;
	v2 =	vadd.f32 v2, v7;
	v7 =	vld [tilespmem:s18+$0x20]  }
0x6b: {  	[tilespmem:s16+$0xFFFFFF80] =	vst v3;
	v3 =	vld [tilespmem:s18+$0x40]  }
0x6c: {  	v5 =	vadd.f32 v18, v5;
	v1 =	vld [tilespmem:s25+$0x70]  }
0x6d: {  	v11 =	vld [tilespmem:s17+$0x70]  }
0x6e: {  	v5 =	vmax.f32 v5, $0.0e+00;
	v13 =	vld [tilespmem:s18+$0x70]  }
0x6f: {  	[tilespmem:s16+$0xFFFFFFA0] =	vst v5;
	v5 =	vld [tilespmem:s17+$0xFFFFFF90];
	v4 =	vadd.f32 v4, v8;
	v2 =	vadd.f32 v14, v2  }
0x70: {  	v14 =	vld [tilespmem:s25+$0xFFFFFF90]  }
0x71: {  	v8 =	vadd.f32 v10, v9;
	v4 =	vadd.f32 v6, v4;
	v2 =	vmax.f32 v2, $0.0e+00;
	v6 =	vld [tilespmem:s25+$0xFFFFFFB0]  }
0x72: {  	[tilespmem:s16+$0xFFFFFFC0] =	vst v2;
	v2 =	vld [tilespmem:s17+$0xFFFFFFB0]  }
0x73: {  	v9 =	vadd.f32 v15, v12;
	v8 =	vadd.f32 v59, v8;
	v4 =	vmax.f32 v4, $0.0e+00;
	v10 =	vld [tilespmem:s25+$0xFFFFFFD0]  }
0x74: {  	v15 =	vld [tilespmem:s17+$0xFFFFFFD0];
	[tilespmem:s16+$0xFFFFFFE0] =	vst v4  }
0x75: {  	v7 =	vadd.f32 v7, v9;
	v8 =	vmax.f32 v8, $0.0e+00;
	v4 =	vadd.f32 v19, v17;
	v9 =	vld [tilespmem:s25+$0xFFFFFFF0]  }
0x76: {  	[tilespmem:s16+$0x0] =	vst v8;
	v60 =	vld [tilespmem:s17+$0xFFFFFFF0]  }
0x77: {  	v61 =	vld [tilespmem:s25+$0x10];
	v3 =	vadd.f32 v3, v4;
	v4 =	vmax.f32 v7, $0.0e+00  }
0x78: {  	v62 =	vld [tilespmem:s17+$0x10];
	[tilespmem:s16+$0x20] =	vst v4  }
0x79: {  	v3 =	vmax.f32 v3, $0.0e+00;
	v63 =	vld [tilespmem:s25+$0x30]  }
0x7a: {  	v20 =	vld [tilespmem:s17+$0x30];
	[tilespmem:s16+$0x40] =	vst v3  }
0x7b: {  	v1 =	vadd.f32 v11, v1;
	v7 =	vld [tilespmem:s25+$0x50]  }
0x7c: {  	v8 =	vld [tilespmem:s17+$0x50]  }
0x7d: {  	v11 =	vld [tilespmem:s18+$0xFFFFFF90];
	v1 =	vadd.f32 v13, v1  }
0x7e: {  	v12 =	vld [tilespmem:s18+$0xFFFFFFB0];
	v4 =	vadd.f32 v2, v6;
	v3 =	vadd.f32 v5, v14  }
0x7f: {  	s14 =	sshll.u32 s13, $0x1;
	s21 =	simm.s32 $0x4FA0;
	v1 =	vmax.f32 v1, $0.0e+00;
	v5 =	vadd.f32 v15, v10;
	v10 =	vld [tilespmem:s18+$0xFFFFFFD0];
	v6 =	vadd.f32 v60, v9  }
0x80: {  	s15 =	simm.s32 $0x76A0;
	s8 =	simm.s32 $0x0;
	[tilespmem:s16+$0x70] =	vst v1;
	v2 =	vadd.f32 v62, v61;
	v9 =	vld [tilespmem:s18+$0xFFFFFFF0];
	s25 =	simm.s32 $0x8AA0;
	v1 =	vadd.f32 v20, v63  }
.LBB2_5:
0x81: {  	v13 =	vld [tilespmem:s21+$0x60];
	v7 =	vadd.f32 v8, v7;
	s17 =	sadd.s32 $0x100, s17  }
0x82: {  	v8 =	vld [tilespmem:s17+$0x60];
	v3 =	vadd.f32 v11, v3  }
0x83: {  	s8 =	sadd.s32 $0x8, s8;
	s18 =	sadd.s32 $0x100, s18;
	v11 =	vld [tilespmem:s17+$0xFFFFFF80];
	v4 =	vadd.f32 v12, v4  }
0x84: {  	p2 =	slt.u32 s8, $0x48;
	v12 =	vld [tilespmem:s18+$0x60];
	v3 =	vmax.f32 v3, $0.0e+00;
	v5 =	vadd.f32 v10, v5  }
0x85: {  	v10 =	vld [tilespmem:s21+$0xFFFFFFA0];
	[tilespmem:s16+$0xFFFFFF90] =	vst v3;
	v3 =	vmax.f32 v4, $0.0e+00;
	v4 =	vadd.f32 v9, v6  }
0x86: {  	v6 =	vld [tilespmem:s17+$0xFFFFFFA0];
	[tilespmem:s16+$0xFFFFFFB0] =	vst v3;
	v3 =	vmax.f32 v5, $0.0e+00  }
0x87: {  	v5 =	vld [tilespmem:s21+$0xFFFFFFC0];
	v8 =	vadd.f32 v8, v13;
	[tilespmem:s16+$0xFFFFFFD0] =	vst v3;
	v3 =	vmax.f32 v4, $0.0e+00  }
0x88: {  	v4 =	vld [tilespmem:s17+$0xFFFFFFC0];
	[tilespmem:s16+$0xFFFFFFF0] =	vst v3  }
0x89: {  	v3 =	vld [tilespmem:s21+$0xFFFFFFE0];
	v8 =	vadd.f32 v12, v8  }
0x8a: {  	v9 =	vld [tilespmem:s17+$0xFFFFFFE0]  }
0x8b: {  	s16 =	sadd.s32 $0x100, s16;
	v6 =	vadd.f32 v6, v10;
	v10 =	vld [tilespmem:s21+$0x0];
	v8 =	vmax.f32 v8, $0.0e+00  }
0x8c: {  	v12 =	vld [tilespmem:s17+$0x0];
	[tilespmem:s16+$0x60] =	vst v8  }
0x8d: {  	v4 =	vadd.f32 v4, v5;
	v5 =	vld [tilespmem:s21+$0x70]  }
0x8e: {  	v8 =	vld [tilespmem:s17+$0x70]  }
0x8f: {  	v3 =	vadd.f32 v9, v3;
	v9 =	vld [tilespmem:s21+$0x20]  }
0x90: {  	v13 =	vld [tilespmem:s18+$0x70]  }
0x91: {  	v10 =	vadd.f32 v12, v10;
	v12 =	vld [tilespmem:s17+$0x20]  }
0x92: {  	v14 =	vld [tilespmem:s21+$0x40]  }
0x93: {  	v15 =	vld [tilespmem:s17+$0x40];
	v5 =	vadd.f32 v8, v5  }
0x94: {  	v8 =	vld [tilespmem:s21+$0xFFFFFF80]  }
0x95: {  	v16 =	vld [tilespmem:s18+$0xFFFFFF80];
	v5 =	vadd.f32 v13, v5  }
0x96: {  	v13 =	vld [tilespmem:s18+$0xFFFFFFA0];
	v9 =	vadd.f32 v12, v9  }
0x97: {  	v12 =	vld [tilespmem:s18+$0xFFFFFFC0];
	v5 =	vmax.f32 v5, $0.0e+00  }
0x98: {  	v17 =	vld [tilespmem:s18+$0xFFFFFFE0];
	v14 =	vadd.f32 v15, v14;
	[tilespmem:s16+$0x70] =	vst v5  }
0x99: {  	v5 =	vadd.f32 v11, v8;
	v8 =	vld [tilespmem:s18+$0x0]  }
0x9a: {  	v11 =	vld [tilespmem:s18+$0x20]  }
0x9b: {  	v5 =	vadd.f32 v16, v5;
	v6 =	vadd.f32 v13, v6;
	v13 =	vld [tilespmem:s18+$0x40]  }
0x9c: {  	v4 =	vadd.f32 v12, v4;
	v12 =	vld [tilespmem:s15+$0x10]  }
0x9d: {  	v5 =	vmax.f32 v5, $0.0e+00;
	v6 =	vmax.f32 v6, $0.0e+00;
	v3 =	vadd.f32 v17, v3;
	v15 =	vld [tilespmem:s15+$0x30]  }
0x9e: {  	[tilespmem:s16+$0xFFFFFF80] =	vst v5;
	v4 =	vmax.f32 v4, $0.0e+00;
	v5 =	vadd.f32 v8, v10;
	v8 =	vld [tilespmem:s15+$0x50];
	s15 =	smov.u32 s18  }
0x9f: {  	v10 =	vld [tilespmem:s21+$0xFFFFFF90];
	[tilespmem:s16+$0xFFFFFFA0] =	vst v6;
	v3 =	vmax.f32 v3, $0.0e+00;
	v6 =	vadd.f32 v11, v9  }
0xa0: {  	v9 =	vld [tilespmem:s17+$0xFFFFFF90];
	[tilespmem:s16+$0xFFFFFFC0] =	vst v4;
	v4 =	vmax.f32 v5, $0.0e+00;
	v5 =	vadd.f32 v13, v14  }
0xa1: {  	v11 =	vld [tilespmem:s21+$0xFFFFFFB0];
	[tilespmem:s16+$0xFFFFFFE0] =	vst v3;
	v3 =	vmax.f32 v6, $0.0e+00;
	v2 =	vadd.f32 v12, v2  }
0xa2: {  	v6 =	vld [tilespmem:s17+$0xFFFFFFB0];
	[tilespmem:s16+$0x0] =	vst v4;
	v4 =	vmax.f32 v5, $0.0e+00;
	v1 =	vadd.f32 v15, v1  }
0xa3: {  	v5 =	vld [tilespmem:s21+$0xFFFFFFD0];
	[tilespmem:s16+$0x20] =	vst v3;
	v2 =	vmax.f32 v2, $0.0e+00;
	v7 =	vadd.f32 v8, v7  }
0xa4: {  	v8 =	vld [tilespmem:s17+$0xFFFFFFD0];
	[tilespmem:s16+$0x40] =	vst v4;
	v1 =	vmax.f32 v1, $0.0e+00  }
0xa5: {  	v3 =	vadd.f32 v9, v10;
	v9 =	vld [tilespmem:s21+$0xFFFFFFF0];
	[tilespmem:s25+$0x10] =	vst v2;
	v2 =	vmax.f32 v7, $0.0e+00  }
0xa6: {  	v7 =	vld [tilespmem:s17+$0xFFFFFFF0];
	[tilespmem:s25+$0x30] =	vst v1  }
0xa7: {  	v4 =	vadd.f32 v6, v11;
	v1 =	vld [tilespmem:s21+$0x10];
	[tilespmem:s25+$0x50] =	vst v2;
	s25 =	smov.u32 s16  }
0xa8: {  	v2 =	vld [tilespmem:s17+$0x10]  }
0xa9: {  	v5 =	vadd.f32 v8, v5;
	v13 =	vld [tilespmem:s21+$0x30]  }
0xaa: {  	v14 =	vld [tilespmem:s17+$0x30]  }
0xab: {  	v6 =	vadd.f32 v7, v9;
	v7 =	vld [tilespmem:s21+$0x50]  }
.Ltmp1:
0xac: {  	v8 =	vld [tilespmem:s17+$0x50];
	(pc) =	sbr.rel @p2 .LBB2_5-.Ltmp1, $4  }
0xad: {  	v11 =	vld [tilespmem:s18+$0xFFFFFF90];
	v2 =	vadd.f32 v2, v1  }
0xae: {  	v12 =	vld [tilespmem:s18+$0xFFFFFFB0]  }
0xaf: {  	v10 =	vld [tilespmem:s18+$0xFFFFFFD0];
	v1 =	vadd.f32 v14, v13  }
0xb0: {  	s21 =	sadd.s32 $0x100, s21;
	v9 =	vld [tilespmem:s18+$0xFFFFFFF0]  }
0xb1: {  	v13 =	vld [tilespmem:s15+$0x10]  }
0xb2: {  	v3 =	vadd.f32 v11, v3;
	v11 =	vld [tilespmem:s15+$0x30]  }
0xb3: {  	v4 =	vadd.f32 v12, v4;
	v12 =	vld [tilespmem:s15+$0x50]  }
0xb4: {  	v3 =	vmax.f32 v3, $0.0e+00;
	v5 =	vadd.f32 v10, v5  }
0xb5: {  	[tilespmem:s16+$0xFFFFFF90] =	vst v3;
	v3 =	vmax.f32 v4, $0.0e+00;
	v4 =	vadd.f32 v9, v6  }
0xb6: {  	v6 =	vadd.f32 v8, v7;
	[tilespmem:s16+$0xFFFFFFB0] =	vst v3;
	v3 =	vmax.f32 v5, $0.0e+00;
	v2 =	vadd.f32 v13, v2  }
0xb7: {  	[tilespmem:s16+$0xFFFFFFD0] =	vst v3;
	v3 =	vmax.f32 v4, $0.0e+00;
	v1 =	vadd.f32 v11, v1  }
0xb8: {  	[tilespmem:s16+$0xFFFFFFF0] =	vst v3;
	v2 =	vmax.f32 v2, $0.0e+00;
	v3 =	vadd.f32 v12, v6  }
0xb9: {  	s8 =	smul.u32 $0x280, s13;
	s21 =	sadd.s32 $0x2, s14;
	v1 =	vmax.f32 v1, $0.0e+00;
	[tilespmem:s25+$0x10] =	vst v2  }
0xba: {  	s17 =	sadd.s32 s4, s21;
	v2 =	vmax.f32 v3, $0.0e+00;
	[tilespmem:s25+$0x30] =	vst v1  }
0xbb: {  	s18 =	smul.u32 $0x140, s17;
	s16 =	sshra.s32 s8, $0x2;
	[tilespmem:s25+$0x50] =	vst v2  }
0xbc: {  	[spmem:s1] =	stream.indirect.scatter.add.f32 [tilespmem:s30], [sflag:$0x3], $0x20, s16, s23, $0xb8;
	[tilespmem:$0x10640] =	vst v63  }
0xbd: {  	s20 =	smul.u32 $0x50, s21;
	s8 =	sadd.s32 s7, s18  }
0xbe: {  	[tilespmem:s22], [sflag:$0x1] =	stream.linear.gather [hbm4b:s8+s2], $0xA00, $0x38;
	[tilespmem:$0x10640] =	vst v63  }
0xbf: {  	_ = 	snop  }
0xc0: {  	[tilespmem:s24], [sflag:$0x1] =	stream.indirect.gather [hbm4b:s5+s23], $0x20, s20, s23, $0xb8;
	[tilespmem:$0x10640] =	vst v63  }
0xc1: {  	s8 =	sadd.s32 $0x2710, s20  }
0xc2: {  	[tilespmem:s26], [sflag:$0x1] =	stream.indirect.gather [hbm4b:s6+s23], $0x20, s8, s23, $0xb8;
	[tilespmem:$0x10640] =	vst v63  }
0xc3: {  	_ =	swait.ge [sflag:s3], $0xA00  }
0xc4: {  	[sflag:s3] =	ssyncset.done $0x0  }
0xc5: {  	[sflag:s3] =	ssyncadd.s32 $0xFFFFF600  }
0xc6: {  	_ =	swait.ge [sflag:s3], $0xA00  }
0xc7: {  	[sflag:s3] =	ssyncset.done $0x0  }
0xc8: {  	[sflag:s3] =	ssyncadd.s32 $0xFFFFF600  }
0xc9: {  	_ =	swait.ge [sflag:s3], $0xA00  }
0xca: {  	[sflag:s3] =	ssyncset.done $0x0  }
0xcb: {  	s8 =	simm.s32 @!p1 $0x4;
	[sflag:s3] =	ssyncadd.s32 $0xFFFFF600  }
0xcc: {  	_ =	swait.ge @!p1 [sflag:s8], $0xA00  }
0xcd: {  	[sflag:s8] =	ssyncset.done @!p1 $0x0  }
0xce: {  	s21 =	simm.s32 $0x5910;
	[sflag:s8] =	ssyncadd.s32 @!p1 $0xFFFFF600  }
0xcf: {  	s18 =	simm.s32 $0x6D10;
	v1 =	vld [tilespmem:s21+$0xFFFFFFF0]  }
0xd0: {  	v2 =	vld [tilespmem:s18+$0xFFFFFFF0]  }
0xd1: {  	s25 =	simm.s32 $0x8110;
	v3 =	vld [tilespmem:s18+$0xFFFFFF10]  }
0xd2: {  	v4 =	vld [tilespmem:s25+$0xFFFFFFF0]  }
0xd3: {  	v5 =	vld [tilespmem:s21+$0xFFFFFF30]  }
0xd4: {  	v6 =	vld [tilespmem:s18+$0xFFFFFF30]  }
0xd5: {  	v7 =	vld [tilespmem:s21+$0xFFFFFF50]  }
0xd6: {  	v8 =	vld [tilespmem:s21+$0xFFFFFF70]  }
0xd7: {  	v9 =	vld [tilespmem:s21+$0xFFFFFF90]  }
0xd8: {  	v10 =	vld [tilespmem:s18+$0xFFFFFF90]  }
0xd9: {  	v12 =	vld [tilespmem:s21+$0xFFFFFFB0]  }
0xda: {  	v14 =	vld [tilespmem:s21+$0xFFFFFF10]  }
0xdb: {  	v15 =	vld [tilespmem:s18+$0xFFFFFFB0]  }
0xdc: {  	v16 =	vld [tilespmem:s25+$0xFFFFFF10]  }
0xdd: {  	v17 =	vld [tilespmem:s21+$0xFFFFFFD0]  }
0xde: {  	v18 =	vld [tilespmem:s25+$0xFFFFFF30]  }
0xdf: {  	v19 =	vld [tilespmem:s18+$0xFFFFFFD0]  }
0xe0: {  	v1 =	vadd.f32 v2, v1;
	v2 =	vld [tilespmem:s18+$0xFFFFFF50]  }
0xe1: {  	v59 =	vld [tilespmem:s25+$0xFFFFFF90];
	v3 =	vadd.f32 v3, v14  }
0xe2: {  	v14 =	vld [tilespmem:s25+$0xFFFFFF50];
	v1 =	vadd.f32 v4, v1  }
0xe3: {  	v5 =	vadd.f32 v6, v5;
	v6 =	vld [tilespmem:s25+$0xFFFFFF70];
	v3 =	vadd.f32 v16, v3  }
0xe4: {  	s17 =	simm.s32 $0x9510;
	v4 =	vld [tilespmem:s18+$0xFFFFFF70];
	v1 =	vmax.f32 v1, $0.0e+00  }
0xe5: {  	v3 =	vmax.f32 v3, $0.0e+00;
	[tilespmem:s17+$0xFFFFFFF0] =	vst v1;
	v2 =	vadd.f32 v2, v7;
	v7 =	vld [tilespmem:s25+$0xFFFFFFB0]  }
0xe6: {  	[tilespmem:s17+$0xFFFFFF10] =	vst v3;
	v3 =	vld [tilespmem:s25+$0xFFFFFFD0]  }
0xe7: {  	v5 =	vadd.f32 v18, v5;
	v1 =	vld [tilespmem:s21+$0x0]  }
0xe8: {  	v11 =	vld [tilespmem:s18+$0x0]  }
0xe9: {  	v5 =	vmax.f32 v5, $0.0e+00;
	v13 =	vld [tilespmem:s25+$0x0]  }
0xea: {  	[tilespmem:s17+$0xFFFFFF30] =	vst v5;
	v5 =	vld [tilespmem:s18+$0xFFFFFF20];
	v4 =	vadd.f32 v4, v8;
	v2 =	vadd.f32 v14, v2  }
0xeb: {  	v14 =	vld [tilespmem:s21+$0xFFFFFF20]  }
0xec: {  	v8 =	vadd.f32 v10, v9;
	v4 =	vadd.f32 v6, v4;
	v2 =	vmax.f32 v2, $0.0e+00;
	v6 =	vld [tilespmem:s21+$0xFFFFFF40]  }
0xed: {  	[tilespmem:s17+$0xFFFFFF50] =	vst v2;
	v2 =	vld [tilespmem:s18+$0xFFFFFF40]  }
0xee: {  	v9 =	vadd.f32 v15, v12;
	v8 =	vadd.f32 v59, v8;
	v4 =	vmax.f32 v4, $0.0e+00;
	v10 =	vld [tilespmem:s21+$0xFFFFFF60]  }
0xef: {  	v15 =	vld [tilespmem:s18+$0xFFFFFF60];
	[tilespmem:s17+$0xFFFFFF70] =	vst v4  }
0xf0: {  	v7 =	vadd.f32 v7, v9;
	v8 =	vmax.f32 v8, $0.0e+00;
	v4 =	vadd.f32 v19, v17;
	v9 =	vld [tilespmem:s21+$0xFFFFFF80]  }
0xf1: {  	[tilespmem:s17+$0xFFFFFF90] =	vst v8;
	v60 =	vld [tilespmem:s18+$0xFFFFFF80]  }
0xf2: {  	v61 =	vld [tilespmem:s21+$0xFFFFFFA0];
	v3 =	vadd.f32 v3, v4;
	v4 =	vmax.f32 v7, $0.0e+00  }
0xf3: {  	v62 =	vld [tilespmem:s18+$0xFFFFFFA0];
	[tilespmem:s17+$0xFFFFFFB0] =	vst v4  }
0xf4: {  	v3 =	vmax.f32 v3, $0.0e+00;
	v63 =	vld [tilespmem:s21+$0xFFFFFFC0]  }
0xf5: {  	v20 =	vld [tilespmem:s18+$0xFFFFFFC0];
	[tilespmem:s17+$0xFFFFFFD0] =	vst v3  }
0xf6: {  	v1 =	vadd.f32 v11, v1;
	v7 =	vld [tilespmem:s21+$0xFFFFFFE0]  }
0xf7: {  	v8 =	vld [tilespmem:s18+$0xFFFFFFE0]  }
0xf8: {  	v11 =	vld [tilespmem:s25+$0xFFFFFF20];
	v1 =	vadd.f32 v13, v1  }
0xf9: {  	v12 =	vld [tilespmem:s25+$0xFFFFFF40];
	v4 =	vadd.f32 v2, v6;
	v6 =	vadd.f32 v15, v10  }
0xfa: {  	s15 =	simm.s32 $0x0;
	v1 =	vmax.f32 v1, $0.0e+00;
	v10 =	vld [tilespmem:s25+$0xFFFFFF60];
	v3 =	vadd.f32 v5, v14;
	v5 =	vadd.f32 v60, v9  }
0xfb: {  	s20 =	simm.s32 $0x5A10;
	s8 =	simm.s32 $0x9510;
	[tilespmem:s17+$0x0] =	vst v1;
	v2 =	vadd.f32 v62, v61;
	v9 =	vld [tilespmem:s25+$0xFFFFFF80];
	s21 =	simm.s32 $0x8110;
	v1 =	vadd.f32 v20, v63  }
.LBB2_7:
0xfc: {  	v13 =	vld [tilespmem:s20+$0xFFFFFFF0];
	v7 =	vadd.f32 v8, v7;
	s18 =	sadd.s32 $0x100, s18  }
0xfd: {  	v8 =	vld [tilespmem:s18+$0xFFFFFFF0];
	v3 =	vadd.f32 v11, v3  }
0xfe: {  	s15 =	sadd.s32 $0x8, s15;
	s25 =	sadd.s32 $0x100, s25;
	v11 =	vld [tilespmem:s18+$0xFFFFFF10];
	v4 =	vadd.f32 v12, v4  }
0xff: {  	p1 =	slt.u32 s15, $0x48;
	v12 =	vld [tilespmem:s25+$0xFFFFFFF0];
	v3 =	vmax.f32 v3, $0.0e+00;
	v6 =	vadd.f32 v10, v6  }
0x100: {  	v10 =	vld [tilespmem:s20+$0xFFFFFF30];
	[tilespmem:s17+$0xFFFFFF20] =	vst v3;
	v3 =	vmax.f32 v4, $0.0e+00;
	v4 =	vadd.f32 v9, v5  }
0x101: {  	v5 =	vld [tilespmem:s18+$0xFFFFFF30];
	[tilespmem:s17+$0xFFFFFF40] =	vst v3;
	v3 =	vmax.f32 v6, $0.0e+00  }
0x102: {  	v6 =	vld [tilespmem:s20+$0xFFFFFF50];
	v8 =	vadd.f32 v8, v13;
	[tilespmem:s17+$0xFFFFFF60] =	vst v3;
	v3 =	vmax.f32 v4, $0.0e+00  }
0x103: {  	v4 =	vld [tilespmem:s18+$0xFFFFFF50];
	[tilespmem:s17+$0xFFFFFF80] =	vst v3  }
0x104: {  	v3 =	vld [tilespmem:s20+$0xFFFFFF70];
	v8 =	vadd.f32 v12, v8  }
0x105: {  	v9 =	vld [tilespmem:s18+$0xFFFFFF70]  }
0x106: {  	s17 =	sadd.s32 $0x100, s17;
	v5 =	vadd.f32 v5, v10;
	v10 =	vld [tilespmem:s20+$0xFFFFFF90];
	v8 =	vmax.f32 v8, $0.0e+00  }
0x107: {  	v12 =	vld [tilespmem:s18+$0xFFFFFF90];
	[tilespmem:s17+$0xFFFFFFF0] =	vst v8  }
0x108: {  	v4 =	vadd.f32 v4, v6;
	v6 =	vld [tilespmem:s20+$0x0]  }
0x109: {  	v8 =	vld [tilespmem:s18+$0x0]  }
0x10a: {  	v3 =	vadd.f32 v9, v3;
	v9 =	vld [tilespmem:s20+$0xFFFFFFB0]  }
0x10b: {  	v13 =	vld [tilespmem:s25+$0x0]  }
0x10c: {  	v10 =	vadd.f32 v12, v10;
	v12 =	vld [tilespmem:s18+$0xFFFFFFB0]  }
0x10d: {  	v14 =	vld [tilespmem:s20+$0xFFFFFFD0]  }
0x10e: {  	v15 =	vld [tilespmem:s18+$0xFFFFFFD0];
	v6 =	vadd.f32 v8, v6  }
0x10f: {  	v8 =	vld [tilespmem:s20+$0xFFFFFF10]  }
0x110: {  	v16 =	vld [tilespmem:s25+$0xFFFFFF10];
	v6 =	vadd.f32 v13, v6  }
0x111: {  	v13 =	vld [tilespmem:s25+$0xFFFFFF30];
	v9 =	vadd.f32 v12, v9  }
0x112: {  	v12 =	vld [tilespmem:s25+$0xFFFFFF50];
	v6 =	vmax.f32 v6, $0.0e+00  }
0x113: {  	v17 =	vld [tilespmem:s25+$0xFFFFFF70];
	v14 =	vadd.f32 v15, v14;
	[tilespmem:s17+$0x0] =	vst v6  }
0x114: {  	v6 =	vadd.f32 v11, v8;
	v8 =	vld [tilespmem:s25+$0xFFFFFF90]  }
0x115: {  	v11 =	vld [tilespmem:s25+$0xFFFFFFB0]  }
0x116: {  	v6 =	vadd.f32 v16, v6;
	v5 =	vadd.f32 v13, v5;
	v13 =	vld [tilespmem:s25+$0xFFFFFFD0]  }
0x117: {  	v4 =	vadd.f32 v12, v4;
	v12 =	vld [tilespmem:s21+$0xFFFFFFA0]  }
0x118: {  	v6 =	vmax.f32 v6, $0.0e+00;
	v5 =	vmax.f32 v5, $0.0e+00;
	v3 =	vadd.f32 v17, v3;
	v15 =	vld [tilespmem:s21+$0xFFFFFFC0]  }
0x119: {  	[tilespmem:s17+$0xFFFFFF10] =	vst v6;
	v4 =	vmax.f32 v4, $0.0e+00;
	v6 =	vadd.f32 v8, v10;
	v8 =	vld [tilespmem:s21+$0xFFFFFFE0];
	s21 =	smov.u32 s25  }
0x11a: {  	v10 =	vld [tilespmem:s20+$0xFFFFFF20];
	[tilespmem:s17+$0xFFFFFF30] =	vst v5;
	v3 =	vmax.f32 v3, $0.0e+00;
	v5 =	vadd.f32 v11, v9  }
0x11b: {  	v9 =	vld [tilespmem:s18+$0xFFFFFF20];
	[tilespmem:s17+$0xFFFFFF50] =	vst v4;
	v4 =	vmax.f32 v6, $0.0e+00;
	v6 =	vadd.f32 v13, v14  }
0x11c: {  	v11 =	vld [tilespmem:s20+$0xFFFFFF40];
	[tilespmem:s17+$0xFFFFFF70] =	vst v3;
	v3 =	vmax.f32 v5, $0.0e+00;
	v2 =	vadd.f32 v12, v2  }
0x11d: {  	v5 =	vld [tilespmem:s18+$0xFFFFFF40];
	[tilespmem:s17+$0xFFFFFF90] =	vst v4;
	v4 =	vmax.f32 v6, $0.0e+00;
	v1 =	vadd.f32 v15, v1  }
0x11e: {  	v6 =	vld [tilespmem:s20+$0xFFFFFF60];
	[tilespmem:s17+$0xFFFFFFB0] =	vst v3;
	v2 =	vmax.f32 v2, $0.0e+00;
	v7 =	vadd.f32 v8, v7  }
0x11f: {  	v8 =	vld [tilespmem:s18+$0xFFFFFF60];
	[tilespmem:s17+$0xFFFFFFD0] =	vst v4;
	v1 =	vmax.f32 v1, $0.0e+00  }
0x120: {  	v3 =	vadd.f32 v9, v10;
	v9 =	vld [tilespmem:s20+$0xFFFFFF80];
	[tilespmem:s8+$0xFFFFFFA0] =	vst v2;
	v2 =	vmax.f32 v7, $0.0e+00  }
0x121: {  	v7 =	vld [tilespmem:s18+$0xFFFFFF80];
	[tilespmem:s8+$0xFFFFFFC0] =	vst v1  }
0x122: {  	v4 =	vadd.f32 v5, v11;
	v1 =	vld [tilespmem:s20+$0xFFFFFFA0];
	[tilespmem:s8+$0xFFFFFFE0] =	vst v2;
	s8 =	smov.u32 s17  }
0x123: {  	v2 =	vld [tilespmem:s18+$0xFFFFFFA0]  }
0x124: {  	v6 =	vadd.f32 v8, v6;
	v13 =	vld [tilespmem:s20+$0xFFFFFFC0]  }
0x125: {  	v14 =	vld [tilespmem:s18+$0xFFFFFFC0]  }
0x126: {  	v5 =	vadd.f32 v7, v9;
	v7 =	vld [tilespmem:s20+$0xFFFFFFE0]  }
.Ltmp2:
0x127: {  	v8 =	vld [tilespmem:s18+$0xFFFFFFE0];
	(pc) =	sbr.rel @p1 .LBB2_7-.Ltmp2, $4  }
0x128: {  	v11 =	vld [tilespmem:s25+$0xFFFFFF20];
	v2 =	vadd.f32 v2, v1  }
0x129: {  	v12 =	vld [tilespmem:s25+$0xFFFFFF40]  }
0x12a: {  	v10 =	vld [tilespmem:s25+$0xFFFFFF60];
	v1 =	vadd.f32 v14, v13  }
0x12b: {  	s20 =	sadd.s32 $0x100, s20;
	v9 =	vld [tilespmem:s25+$0xFFFFFF80]  }
0x12c: {  	v13 =	vld [tilespmem:s21+$0xFFFFFFA0]  }
0x12d: {  	v60 =	vld [tilespmem:s21+$0xFFFFFFC0];
	v3 =	vadd.f32 v11, v3  }
0x12e: {  	v61 =	vld [tilespmem:s21+$0xFFFFFFE0];
	v4 =	vadd.f32 v12, v4  }
0x12f: {  	v6 =	vadd.f32 v10, v6;
	v3 =	vmax.f32 v3, $0.0e+00  }
0x130: {  	[tilespmem:s17+$0xFFFFFF20] =	vst v3;
	v3 =	vmax.f32 v4, $0.0e+00;
	v62 =	vadd.f32 v9, v5  }
0x131: {  	v63 =	vadd.f32 v8, v7;
	[tilespmem:s17+$0xFFFFFF40] =	vst v3;
	v3 =	vmax.f32 v6, $0.0e+00;
	v2 =	vadd.f32 v13, v2  }
0x132: {  	p1 =	seq.s32 s13, $0x3D;
	v1 =	vadd.f32 v60, v1;
	[tilespmem:s17+$0xFFFFFF60] =	vst v3;
	v3 =	vmax.f32 v62, $0.0e+00  }
.Ltmp3:
0x133: {  	[tilespmem:s17+$0xFFFFFF80] =	vst v3;
	v2 =	vmax.f32 v2, $0.0e+00;
	v3 =	vadd.f32 v61, v63;
	(pc) =	sbr.rel @p1 .LBB2_10-.Ltmp3, $4  }
0x134: {  	v1 =	vmax.f32 v1, $0.0e+00;
	[tilespmem:s8+$0xFFFFFFA0] =	vst v2  }
0x135: {  	[tilespmem:s8+$0xFFFFFFC0] =	vst v1;
	v2 =	vmax.f32 v3, $0.0e+00  }
0x136: {  	s25 =	sadd.s32 $0x50, s16;
	[tilespmem:s8+$0xFFFFFFE0] =	vst v2  }
0x137: {  	[spmem:s1] =	stream.indirect.scatter.add.f32 [tilespmem:s9], [sflag:$0x4], $0x20, s25, s23, $0xb8;
	[tilespmem:$0x10640] =	vst v63  }
0x138: {  	s8 =	sadd.s32 $0x3, s14  }
0x139: {  	s14 =	sadd.s32 s4, s8  }
0x13a: {  	s14 =	smul.u32 $0x140, s14;
	_ =	sdelay $0x1  }
0x13b: {  	s8 =	smul.u32 $0x50, s8;
	s14 =	sadd.s32 s7, s14  }
0x13c: {  	[tilespmem:s28], [sflag:$0x2] =	stream.linear.gather [hbm4b:s14+s2], $0xA00, $0x38;
	[tilespmem:$0x10640] =	vst v63  }
.Ltmp4:
0x13d: {  	_ = 	snop;
	(pc) =	sbr.rel .LBB2_4-.Ltmp4, $4  }
0x13e: {  	_ = 	snop  }
0x13f: {  	[tilespmem:s29], [sflag:$0x2] =	stream.indirect.gather [hbm4b:s5+s23], $0x20, s8, s23, $0xb8;
	[tilespmem:$0x10640] =	vst v63  }
0x140: {  	s13 =	sadd.s32 $0x1, s13;
	s8 =	sadd.s32 $0x2710, s8  }
0x141: {  	[tilespmem:s31], [sflag:$0x2] =	stream.indirect.gather [hbm4b:s6+s23], $0x20, s8, s23, $0xb8;
	[tilespmem:$0x10640] =	vst v63  }
.LBB2_10:
0x142: {  	_ =	swait.ge [sflag:s0], $0xA00  }
0x143: {  	[sflag:s0] =	ssyncset.done $0x0  }
0x144: {  	[sflag:s0] =	ssyncadd.s32 $0xFFFFF600  }
0x145: {  	_ =	swait.ge [sflag:s0], $0xA00  }
0x146: {  	[sflag:s0] =	ssyncset.done $0x0  }
0x147: {  	[sflag:s0] =	ssyncadd.s32 $0xFFFFF600  }
0x148: {  	_ =	swait.ge [sflag:s0], $0xA00  }
0x149: {  	[sflag:s0] =	ssyncset.done $0x0  }
0x14a: {  	[sflag:s0] =	ssyncadd.s32 $0xFFFFF600  }
0x14b: {  	_ =	swait.ge [sflag:s11], $0xA00  }
0x14c: {  	[sflag:s11] =	ssyncset.done $0x0  }
0x14d: {  	s8 =	simm.s32 $0x4EA0;
	[sflag:s11] =	ssyncadd.s32 $0xFFFFF600  }
0x14e: {  	s14 =	simm.s32 $0x62A0;
	v1 =	vld [tilespmem:s8+$0x60]  }
0x14f: {  	v2 =	vld [tilespmem:s14+$0x60]  }
0x150: {  	s16 =	simm.s32 $0x76A0;
	v3 =	vld [tilespmem:s14+$0xFFFFFF80]  }
0x151: {  	v4 =	vld [tilespmem:s16+$0x60]  }
0x152: {  	v5 =	vld [tilespmem:s8+$0xFFFFFFA0]  }
0x153: {  	v6 =	vld [tilespmem:s14+$0xFFFFFFA0]  }
0x154: {  	v7 =	vld [tilespmem:s8+$0xFFFFFFC0]  }
0x155: {  	v8 =	vld [tilespmem:s8+$0xFFFFFFE0]  }
0x156: {  	v9 =	vld [tilespmem:s8+$0x0]  }
0x157: {  	v10 =	vld [tilespmem:s14+$0x0]  }
0x158: {  	v12 =	vld [tilespmem:s8+$0x20]  }
0x159: {  	v14 =	vld [tilespmem:s8+$0xFFFFFF80]  }
0x15a: {  	v15 =	vld [tilespmem:s14+$0x20]  }
0x15b: {  	v16 =	vld [tilespmem:s16+$0xFFFFFF80]  }
0x15c: {  	v17 =	vld [tilespmem:s8+$0x40]  }
0x15d: {  	v18 =	vld [tilespmem:s16+$0xFFFFFFA0]  }
0x15e: {  	v19 =	vld [tilespmem:s14+$0x40]  }
0x15f: {  	v1 =	vadd.f32 v2, v1;
	v2 =	vld [tilespmem:s14+$0xFFFFFFC0]  }
0x160: {  	v59 =	vld [tilespmem:s16+$0x0];
	v3 =	vadd.f32 v3, v14  }
0x161: {  	v14 =	vld [tilespmem:s16+$0xFFFFFFC0];
	v1 =	vadd.f32 v4, v1  }
0x162: {  	v5 =	vadd.f32 v6, v5;
	v6 =	vld [tilespmem:s16+$0xFFFFFFE0];
	v3 =	vadd.f32 v16, v3  }
0x163: {  	s13 =	simm.s32 $0x8AA0;
	v4 =	vld [tilespmem:s14+$0xFFFFFFE0];
	v1 =	vmax.f32 v1, $0.0e+00  }
0x164: {  	v3 =	vmax.f32 v3, $0.0e+00;
	[tilespmem:s13+$0x60] =	vst v1;
	v2 =	vadd.f32 v2, v7;
	v7 =	vld [tilespmem:s16+$0x20]  }
0x165: {  	[tilespmem:s13+$0xFFFFFF80] =	vst v3;
	v3 =	vld [tilespmem:s16+$0x40]  }
0x166: {  	v5 =	vadd.f32 v18, v5;
	v1 =	vld [tilespmem:s8+$0x70]  }
0x167: {  	v11 =	vld [tilespmem:s14+$0x70]  }
0x168: {  	v5 =	vmax.f32 v5, $0.0e+00;
	v13 =	vld [tilespmem:s16+$0x70]  }
0x169: {  	[tilespmem:s13+$0xFFFFFFA0] =	vst v5;
	v5 =	vld [tilespmem:s14+$0xFFFFFF90];
	v4 =	vadd.f32 v4, v8;
	v2 =	vadd.f32 v14, v2  }
0x16a: {  	v14 =	vld [tilespmem:s8+$0xFFFFFF90]  }
0x16b: {  	v8 =	vadd.f32 v10, v9;
	v4 =	vadd.f32 v6, v4;
	v2 =	vmax.f32 v2, $0.0e+00;
	v6 =	vld [tilespmem:s8+$0xFFFFFFB0]  }
0x16c: {  	[tilespmem:s13+$0xFFFFFFC0] =	vst v2;
	v2 =	vld [tilespmem:s14+$0xFFFFFFB0]  }
0x16d: {  	v9 =	vadd.f32 v15, v12;
	v8 =	vadd.f32 v59, v8;
	v4 =	vmax.f32 v4, $0.0e+00;
	v10 =	vld [tilespmem:s8+$0xFFFFFFD0]  }
0x16e: {  	v15 =	vld [tilespmem:s14+$0xFFFFFFD0];
	[tilespmem:s13+$0xFFFFFFE0] =	vst v4  }
0x16f: {  	v7 =	vadd.f32 v7, v9;
	v8 =	vmax.f32 v8, $0.0e+00;
	v4 =	vadd.f32 v19, v17;
	v9 =	vld [tilespmem:s8+$0xFFFFFFF0]  }
0x170: {  	[tilespmem:s13+$0x0] =	vst v8;
	v60 =	vld [tilespmem:s14+$0xFFFFFFF0]  }
0x171: {  	v61 =	vld [tilespmem:s8+$0x10];
	v3 =	vadd.f32 v3, v4;
	v4 =	vmax.f32 v7, $0.0e+00  }
0x172: {  	v62 =	vld [tilespmem:s14+$0x10];
	[tilespmem:s13+$0x20] =	vst v4  }
0x173: {  	v3 =	vmax.f32 v3, $0.0e+00;
	v63 =	vld [tilespmem:s8+$0x30]  }
0x174: {  	v20 =	vld [tilespmem:s14+$0x30];
	[tilespmem:s13+$0x40] =	vst v3  }
0x175: {  	v1 =	vadd.f32 v11, v1;
	v7 =	vld [tilespmem:s8+$0x50]  }
0x176: {  	v8 =	vld [tilespmem:s14+$0x50]  }
0x177: {  	v11 =	vld [tilespmem:s16+$0xFFFFFF90];
	v1 =	vadd.f32 v13, v1  }
0x178: {  	v12 =	vld [tilespmem:s16+$0xFFFFFFB0];
	v4 =	vadd.f32 v2, v6;
	v6 =	vadd.f32 v15, v10  }
0x179: {  	s15 =	simm.s32 $0x0;
	v1 =	vmax.f32 v1, $0.0e+00;
	v10 =	vld [tilespmem:s16+$0xFFFFFFD0];
	v3 =	vadd.f32 v5, v14;
	v5 =	vadd.f32 v60, v9  }
0x17a: {  	s18 =	simm.s32 $0x4FA0;
	s17 =	simm.s32 $0x76A0;
	[tilespmem:s13+$0x70] =	vst v1;
	v2 =	vadd.f32 v62, v61;
	v9 =	vld [tilespmem:s16+$0xFFFFFFF0];
	s8 =	simm.s32 $0x8AA0;
	v1 =	vadd.f32 v20, v63  }
.LBB2_11:
0x17b: {  	v13 =	vld [tilespmem:s18+$0x60];
	v7 =	vadd.f32 v8, v7;
	s14 =	sadd.s32 $0x100, s14  }
0x17c: {  	v8 =	vld [tilespmem:s14+$0x60];
	v3 =	vadd.f32 v11, v3  }
0x17d: {  	s15 =	sadd.s32 $0x8, s15;
	s16 =	sadd.s32 $0x100, s16;
	v11 =	vld [tilespmem:s14+$0xFFFFFF80];
	v4 =	vadd.f32 v12, v4  }
0x17e: {  	p1 =	slt.u32 s15, $0x48;
	v12 =	vld [tilespmem:s16+$0x60];
	v3 =	vmax.f32 v3, $0.0e+00;
	v6 =	vadd.f32 v10, v6  }
0x17f: {  	v10 =	vld [tilespmem:s18+$0xFFFFFFA0];
	[tilespmem:s13+$0xFFFFFF90] =	vst v3;
	v3 =	vmax.f32 v4, $0.0e+00;
	v4 =	vadd.f32 v9, v5  }
0x180: {  	v5 =	vld [tilespmem:s14+$0xFFFFFFA0];
	[tilespmem:s13+$0xFFFFFFB0] =	vst v3;
	v3 =	vmax.f32 v6, $0.0e+00  }
0x181: {  	v6 =	vld [tilespmem:s18+$0xFFFFFFC0];
	v8 =	vadd.f32 v8, v13;
	[tilespmem:s13+$0xFFFFFFD0] =	vst v3;
	v3 =	vmax.f32 v4, $0.0e+00  }
0x182: {  	v4 =	vld [tilespmem:s14+$0xFFFFFFC0];
	[tilespmem:s13+$0xFFFFFFF0] =	vst v3  }
0x183: {  	v3 =	vld [tilespmem:s18+$0xFFFFFFE0];
	v8 =	vadd.f32 v12, v8  }
0x184: {  	v9 =	vld [tilespmem:s14+$0xFFFFFFE0]  }
0x185: {  	s13 =	sadd.s32 $0x100, s13;
	v5 =	vadd.f32 v5, v10;
	v10 =	vld [tilespmem:s18+$0x0];
	v8 =	vmax.f32 v8, $0.0e+00  }
0x186: {  	v12 =	vld [tilespmem:s14+$0x0];
	[tilespmem:s13+$0x60] =	vst v8  }
0x187: {  	v4 =	vadd.f32 v4, v6;
	v6 =	vld [tilespmem:s18+$0x70]  }
0x188: {  	v8 =	vld [tilespmem:s14+$0x70]  }
0x189: {  	v3 =	vadd.f32 v9, v3;
	v9 =	vld [tilespmem:s18+$0x20]  }
0x18a: {  	v13 =	vld [tilespmem:s16+$0x70]  }
0x18b: {  	v10 =	vadd.f32 v12, v10;
	v12 =	vld [tilespmem:s14+$0x20]  }
0x18c: {  	v14 =	vld [tilespmem:s18+$0x40]  }
0x18d: {  	v15 =	vld [tilespmem:s14+$0x40];
	v6 =	vadd.f32 v8, v6  }
0x18e: {  	v8 =	vld [tilespmem:s18+$0xFFFFFF80]  }
0x18f: {  	v16 =	vld [tilespmem:s16+$0xFFFFFF80];
	v6 =	vadd.f32 v13, v6  }
0x190: {  	v13 =	vld [tilespmem:s16+$0xFFFFFFA0];
	v9 =	vadd.f32 v12, v9  }
0x191: {  	v12 =	vld [tilespmem:s16+$0xFFFFFFC0];
	v6 =	vmax.f32 v6, $0.0e+00  }
0x192: {  	v17 =	vld [tilespmem:s16+$0xFFFFFFE0];
	v14 =	vadd.f32 v15, v14;
	[tilespmem:s13+$0x70] =	vst v6  }
0x193: {  	v6 =	vadd.f32 v11, v8;
	v8 =	vld [tilespmem:s16+$0x0]  }
0x194: {  	v11 =	vld [tilespmem:s16+$0x20]  }
0x195: {  	v6 =	vadd.f32 v16, v6;
	v5 =	vadd.f32 v13, v5;
	v13 =	vld [tilespmem:s16+$0x40]  }
0x196: {  	v4 =	vadd.f32 v12, v4;
	v12 =	vld [tilespmem:s17+$0x10]  }
0x197: {  	v6 =	vmax.f32 v6, $0.0e+00;
	v5 =	vmax.f32 v5, $0.0e+00;
	v3 =	vadd.f32 v17, v3;
	v15 =	vld [tilespmem:s17+$0x30]  }
0x198: {  	[tilespmem:s13+$0xFFFFFF80] =	vst v6;
	v4 =	vmax.f32 v4, $0.0e+00;
	v6 =	vadd.f32 v8, v10;
	v8 =	vld [tilespmem:s17+$0x50];
	s17 =	smov.u32 s16  }
0x199: {  	v10 =	vld [tilespmem:s18+$0xFFFFFF90];
	[tilespmem:s13+$0xFFFFFFA0] =	vst v5;
	v3 =	vmax.f32 v3, $0.0e+00;
	v5 =	vadd.f32 v11, v9  }
0x19a: {  	v9 =	vld [tilespmem:s14+$0xFFFFFF90];
	[tilespmem:s13+$0xFFFFFFC0] =	vst v4;
	v4 =	vmax.f32 v6, $0.0e+00;
	v6 =	vadd.f32 v13, v14  }
0x19b: {  	v11 =	vld [tilespmem:s18+$0xFFFFFFB0];
	[tilespmem:s13+$0xFFFFFFE0] =	vst v3;
	v3 =	vmax.f32 v5, $0.0e+00;
	v2 =	vadd.f32 v12, v2  }
0x19c: {  	v5 =	vld [tilespmem:s14+$0xFFFFFFB0];
	[tilespmem:s13+$0x0] =	vst v4;
	v4 =	vmax.f32 v6, $0.0e+00;
	v1 =	vadd.f32 v15, v1  }
0x19d: {  	v6 =	vld [tilespmem:s18+$0xFFFFFFD0];
	[tilespmem:s13+$0x20] =	vst v3;
	v2 =	vmax.f32 v2, $0.0e+00;
	v7 =	vadd.f32 v8, v7  }
0x19e: {  	v8 =	vld [tilespmem:s14+$0xFFFFFFD0];
	[tilespmem:s13+$0x40] =	vst v4;
	v1 =	vmax.f32 v1, $0.0e+00  }
0x19f: {  	v3 =	vadd.f32 v9, v10;
	v9 =	vld [tilespmem:s18+$0xFFFFFFF0];
	[tilespmem:s8+$0x10] =	vst v2;
	v2 =	vmax.f32 v7, $0.0e+00  }
0x1a0: {  	v7 =	vld [tilespmem:s14+$0xFFFFFFF0];
	[tilespmem:s8+$0x30] =	vst v1  }
0x1a1: {  	v4 =	vadd.f32 v5, v11;
	v1 =	vld [tilespmem:s18+$0x10];
	[tilespmem:s8+$0x50] =	vst v2;
	s8 =	smov.u32 s13  }
0x1a2: {  	v2 =	vld [tilespmem:s14+$0x10]  }
0x1a3: {  	v6 =	vadd.f32 v8, v6;
	v13 =	vld [tilespmem:s18+$0x30]  }
0x1a4: {  	v14 =	vld [tilespmem:s14+$0x30]  }
0x1a5: {  	v5 =	vadd.f32 v7, v9;
	v7 =	vld [tilespmem:s18+$0x50]  }
.Ltmp5:
0x1a6: {  	v8 =	vld [tilespmem:s14+$0x50];
	(pc) =	sbr.rel @p1 .LBB2_11-.Ltmp5, $4  }
0x1a7: {  	v11 =	vld [tilespmem:s16+$0xFFFFFF90];
	v2 =	vadd.f32 v2, v1  }
0x1a8: {  	v12 =	vld [tilespmem:s16+$0xFFFFFFB0]  }
0x1a9: {  	v10 =	vld [tilespmem:s16+$0xFFFFFFD0];
	v1 =	vadd.f32 v14, v13  }
0x1aa: {  	s18 =	sadd.s32 $0x100, s18;
	v9 =	vld [tilespmem:s16+$0xFFFFFFF0]  }
0x1ab: {  	v13 =	vld [tilespmem:s17+$0x10]  }
0x1ac: {  	v60 =	vld [tilespmem:s17+$0x30];
	v3 =	vadd.f32 v11, v3  }
0x1ad: {  	v61 =	vld [tilespmem:s17+$0x50];
	v4 =	vadd.f32 v12, v4  }
0x1ae: {  	v6 =	vadd.f32 v10, v6;
	v3 =	vmax.f32 v3, $0.0e+00  }
0x1af: {  	[tilespmem:s13+$0xFFFFFF90] =	vst v3;
	v3 =	vmax.f32 v4, $0.0e+00;
	v62 =	vadd.f32 v9, v5  }
0x1b0: {  	v63 =	vadd.f32 v8, v7;
	[tilespmem:s13+$0xFFFFFFB0] =	vst v3;
	v3 =	vmax.f32 v6, $0.0e+00;
	v2 =	vadd.f32 v13, v2  }
0x1b1: {  	v1 =	vadd.f32 v60, v1;
	[tilespmem:s13+$0xFFFFFFD0] =	vst v3;
	v3 =	vmax.f32 v62, $0.0e+00  }
0x1b2: {  	[tilespmem:s13+$0xFFFFFFF0] =	vst v3;
	v2 =	vmax.f32 v2, $0.0e+00;
	v3 =	vadd.f32 v61, v63  }
0x1b3: {  	v1 =	vmax.f32 v1, $0.0e+00;
	[tilespmem:s8+$0x10] =	vst v2  }
0x1b4: {  	[tilespmem:s8+$0x30] =	vst v1;
	v2 =	vmax.f32 v3, $0.0e+00  }
0x1b5: {  	s17 =	simm.s32 $0x26C0;
	[tilespmem:s8+$0x50] =	vst v2  }
0x1b6: {  	[spmem:s1] =	stream.indirect.scatter.add.f32 [tilespmem:s30], [sflag:$0x3], $0x20, s17, s23, $0xb8;
	[tilespmem:$0x10640] =	vst v63  }
0x1b7: {  	_ =	swait.ge [sflag:s11], $0xA00  }
0x1b8: {  	[sflag:s11] =	ssyncset.done $0x0  }
0x1b9: {  	s18 =	simm.s32 $0x4;
	[sflag:s11] =	ssyncadd.s32 $0xFFFFF600  }
0x1ba: {  	_ =	swait.ge [sflag:s18], $0xA00  }
0x1bb: {  	[sflag:s18] =	ssyncset.done $0x0  }
0x1bc: {  	[sflag:s18] =	ssyncadd.s32 $0xFFFFF600  }
0x1bd: {  	s20 =	stileid.u32;
	[bflag:$0x0] =	sbarrier.arrive $0xFFFF  }
0x1be: {  	s8 =	sshll.u32 s20, $0x6;
	s21 =	rddreg [dreg:$0x8]  }
0x1bf: {  	s8 =	sor.u32 $0x1C05, s8;
	s14 =	rddreg [dreg:$0xe]  }
0x1c0: {  	[hbm:s21], [sflag:s8] =	dma.local [spmem:s14], $0x9C0  }
0x1c1: {  	_ =	swait.ge [sflag:s19], $0x9C0  }
0x1c2: {  	[sflag:s19] =	ssyncset.done $0x0  }
0x1c3: {  	s13 =	sshrl.u32 @!p0 s10, $0x3;
	s14 =	rddreg [dreg:$0x9];
	[sflag:s19] =	ssyncadd.s32 $0xFFFFF640  }
0x1c4: {  	[hbm:s14], [sflag:s8] =	dma.local @!p0 [spmem:s13], $0x40  }
0x1c5: {  	s8 =	simm.s32 @!p0 $0x5  }
0x1c6: {  	_ =	swait.ge @!p0 [sflag:s8], $0x40  }
0x1c7: {  	s12 =	sadd.s32 $0x1, s12;
	s25 =	rddreg [dreg:$0xb]  }
0x1c8: {  	p1 =	sne.s32 s12, s25  }
.Ltmp6:
0x1c9: {  	_ = 	snop;
	(pc) =	sbr.rel @p1 .LBB2_1-.Ltmp6, $3  }
0x1ca: {  	_ =	sdelay $0x1  }
0x1cb: {  	[sflag:s8] =	ssyncset.done @!p0 $0x0  }
0x1cc: {  	s15 =	simm.s32 $0x2710;
	[sflag:s8] =	ssyncadd.s32 @!p0 $0xFFFFFFC0  }
0x1cd: {  	_ =	sfence.sel $0x180000  }
0x1ce: {  	[bflag:$0x0] =	sbarrier.arrive $0xFFFF  }
0x1cf: {  	_ =	strace $0x9000004A  }
0x1d0: {  	[bflag:$0x2] =	sbarrier.arrive $0xFFFF  }
0x1d1: {  	s0 =	rddreg [dreg:$0x3]  }
0x1d2: {  	s0 =	sadd.s32 @!p0 $0x100000, s0  }
0x1d3: {  	[sflag:s0] =	ssyncadd.tile.s32 @!p0 $0x1;
	_ =	shalt  }
.Lfunc_end2:
_tile_overlayer_lowered:
.L_overlay_start_2:
0x1d4: {  	(tag) =	ssettag $0x2  }
0x1d5: {  	s0 =	rddreg [dreg:$0x0];
	s2 =	stileid.u32  }
0x1d6: {  	s1 =	rddreg [dreg:$0x1];
	p0 =	sne.s32 s2, $0x0  }
0x1d7: {  	s3 =	rddreg [dreg:$0x2];
	[bflag:$0x3] =	sbarrier.arrive $0xFFFF;
	s2 =	simm.s32 @!p0 $0x1C05  }
0x1d8: {  	[timem:s3], [sflag:s2] =	dma.local @!p0 [hbm:s0], s1  }
0x1d9: {  	s0 =	simm.s32 @!p0 $0x5  }
0x1da: {  	_ =	swait.ge @!p0 [sflag:s0], s1  }
0x1db: {  	s1 =	ssub.s32 @!p0 $0x0, s1;
	[sflag:s0] =	ssyncset.done @!p0 $0x0  }
0x1dc: {  	[sflag:s0] =	ssyncadd.s32 @!p0 s1  }
0x1dd: {  	[bflag:$0x3] =	sbarrier.arrive $0xFFFF  }
0x1de: {  	_ =	shalt  }

// kernel: sparse-core-data-format-call.cloned.1.call-start
scs
called_computation_lowered:
.L_overlay_start_0:
0x0: {  	s1 =	sld [smem:$0x3FD9]  }
0x1: {  	s2 =	sld [smem:$0x3FFE];
	_ =	sdelay $0x1  }
0x2: {  	s3 =	srdreg.scid  }
0x3: {  	s0 =	sand.u32 $0x1, s3  }
0x4: {  	s17 =	sshll.u32 s0, $0xA;
	s1 =	sadd.s32 s2, s1  }
0x5: {  	s1 =	sadd.s32 s1, s17  }
0x6: {  	[smem:$0x3FC1] =	sst s1  }
0x7: {  	_ = 	snop  }
0x8: {  	(tm) =	ssettm $0x1  }
0x9: {  	s18 =	sld [smem:$0x3FFB];
	_ =	sdelay $0x3  }
0xa: {  	_ =	strace s18  }
0xb: {  	s1 =	sld [smem:$0x3FFC];
	_ =	sdelay $0x3  }
0xc: {  	_ =	strace s1  }
0xd: {  	s1 =	sld [smem:$0x3FFD];
	_ =	sdelay $0x3  }
0xe: {  	_ =	strace s1  }
0xf: {  	_ =	strace $0x8FFFFFFF  }
0x10: {  	s19 =	sld [smem:$0x3FDB];
	_ =	sdelay $0x1  }
0x11: {  	s20 =	simm.s32 $_scs_section_size  }
0x12: {  	s4 =	simm.s32 $_size__tile_overlayer_lowered;
	s5 =	simm.s32 $_tile_overlayer_lowered  }
0x13: {  	s23 =	simm.s32 $0x1BFF;
	s22 =	sshll.u32 s5, $0x1;
	s1 =	sadd.s32 s20, s19  }
0x14: {  	s6 =	simm.s32 $0x0;
	s21 =	sshll.u32 s4, $0x1;
	s4 =	sadd.s32 s22, s1  }
0x15: {  	[timem:s6], [sflag:s23] =	dma.local [hbm:s4], s21  }
0x16: {  	_ =	swait.ge [sflag:s23], s21  }
0x17: {  	s2 =	ssub.s32 $0x0, s21;
	[sflag:s23] =	ssyncset.done $0x0  }
0x18: {  	[sflag:s23] =	ssyncadd.s32 s2;
	_ =	sdelay $0x1  }
0x19: {  	s24 =	simm.s32 $0x1B8B  }
0x1a: {  	_ =	swait.ge [sflag:s24], $0x1  }
0x1b: {  	[sflag:s24] =	ssyncset.done $0x0  }
0x1c: {  	s26 =	simm.s32 $0x1B8E;
	s25 =	sld [smem:$0x3FFE];
	[sflag:s24] =	ssyncadd.s32 $0xFFFFFFFF  }
0x1d: {  	s27 =	simm.s32 $execute0_lowered;
	[smem:$0x3FD2] =	sst s26  }
0x1e: {  	s4 =	sshll.u32 s27, $0x1;
	_ =	strace $0x80000046;
	[dreg:$0x1] =	wrdreg $0xFFFFFFFF  }
0x1f: {  	s28 =	simm.s32 $_size_execute0_lowered;
	s1 =	sadd.s32 s1, s4;
	[dreg:$0x0] =	wrdreg $0x0  }
0x20: {  	s4 =	sshll.u32 s28, $0x1;
	[dreg:$0x2] =	wrdreg s1  }
0x21: {  	[dreg:$0x3] =	wrdreg s4  }
0x22: {  	[dreg:$0x4] =	wrdreg $0xC0  }
0x23: {  	_ =	task [dreg:s6], $0x5FFFF  }
0x24: {  	[dreg:$0x1] =	wrdreg $0xFFFFFFFF  }
0x25: {  	[dreg:$0x0] =	wrdreg $0x60  }
0x26: {  	[dreg:$0x2] =	wrdreg s25  }
0x27: {  	[dreg:$0x3] =	wrdreg $0x9  }
0x28: {  	_ =	task.clear_ibuf [dreg:s6], $0x4FFFF;
	_ =	strace $0x90000046  }
0x29: {  	s29 =	simm.s32 $0x9;
	_ =	strace $0x80000048  }
0x2a: {  	_ =	swait.ge [sflag:s29], $0x1  }
0x2b: {  	[sflag:s29] =	ssyncadd.s32 $0xFFFFFFFF  }
0x2c: {  	_ =	strace $0x90000048  }
0x2d: {  	_ =	sfence  }
0x2e: {  	s30 =	sld [smem:$0x0];
	_ =	sdelay $0x2  }
0x2f: {  	s31 =	sshll.u32 s3, $0xD;
	s3 =	sshrl.u32 s3, $0x2  }
0x30: {  	s2 =	sand.u32 $0x4000, s31;
	s1 =	sadd.s32 s3, s30  }
0x31: {  	s0 =	sor.u32 s2, s0;
	s1 =	sshll.u32 s1, $0x11  }
0x32: {  	s0 =	sor.u32 s1, s0  }
0x33: {  	s0 =	sadd.s32 $0x8F2B, s0  }
0x34: {  	[sflag:s0] =	ssyncadd.remote.s32 $0x1  }
0x35: {  	_ =	sfence.sel $0xFFFF  }
0x36: {  	[dreg:$0x0] =	wrdreg $0xFFFFFFFF;
	(pc) =	sbr.abs _section_cstart, $3  }
0x37: {  	[dreg:$0x1] =	wrdreg $0xFFFFFFFF  }
0x38: {  	_ =	task.clear_ibuf [dreg:s6], $0x2FFFF;
	_ =	strace $0x9FFFFFFF  }
0x39: {  	(tm) =	ssettm $0x7FFFFFFF  }
tec
execute0_lowered:
.L_overlay_start_1:
0x0: {  	(tag) =	ssettag $0x1  }
0x1: {  	s0 =	srdreg.scid  }
0x2: {  	s1 =	sshll.u32 s0, $0x4  }
0x3: {  	s4 =	rddreg [dreg:$0x0];
	s0 =	stileid.u32;
	s1 =	sand.u32 $0x10, s1  }
0x4: {  	s7 =	simm.s32 $0x1;
	s8 =	simm.s32 $0x2;
	s1 =	sor.u32 s0, s1  }
0x5: {  	s9 =	simm.s32 $0x0;
	s12 =	simm.s32 $0x0;
	s2 =	sshll.u32 s1, $0x3  }
0x6: {  	s11 =	simm.s32 $0x0;
	s3 =	sadd.s32 $0x2000, s4;
	s6 =	ssub.s32 $0x1388, s2  }
.Ltmp0:
0x7: {  	s4 =	sadd.s32 $0x13A800, s4;
	s5 =	sand.u32 $0xF8, s6;
	(pc) =	sbr.rel .LBB1_1-.Ltmp0, $4  }
0x8: {  	s1 =	rddreg [dreg:$0x1];
	_ =	strace $0x80000047;
	p0 =	sne.s32 s5, $0x0  }
0x9: {  	s6 =	sshrl.u32 s6, $0x8;
	s5 =	simm.s32 $0x1;
	s7 =	simm.s32 @!p0 $0x0  }
0xa: {  	s10 =	smov.u32 s2;
	[sflag:s5] =	ssyncpa.u1 $0x0;
	s6 =	sadd.s32 s7, s6  }
0xb: {  	[sflag:s8] =	ssyncpa.u1 $0x0;
	s8 =	simm.s32 $0x0;
	s7 =	sadd.s32 $0x1, s6  }
.LBB1_9:
0xc: {  	s14 =	sadd.s32 $0x100, s10  }
0xd: {  	p1 =	sgt.s32 s14, $0x1387  }
0xe: {  	s14 =	smov.u32 @p1 s2;
	p1 =	sne.s32 s11, s7  }
.Ltmp1:
0xf: {  	p0 =	slt.u32 s11, $0x2;
	(pc) =	sbr.rel @!p1 .LBB1_10-.Ltmp1, $4  }
0x10: {  	s13 =	simm.s32 @!p0 $0x2  }
0x11: {  	s15 =	sadd.s32 $0x1, s11;
	_ =	swait.ge @!p0 [sflag:s13], $0x4000  }
0x12: {  	s12 =	smov.u32 s10;
	s9 =	sadd.s32 $0x4000, s9;
	[sflag:s13] =	ssyncset.done @!p0 $0x0  }
0x13: {  	s11 =	smov.u32 s15;
	s10 =	smov.u32 s14;
	[sflag:s13] =	ssyncadd.s32 @!p0 $0xFFFFC000  }
.LBB1_1:
0x14: {  	p0 =	sge.u32 s11, s6  }
0x15: {  	s13 =	sxor.u32 @!p0 $0xFFFFFFFF, s11  }
0x16: {  	s31 =	sadd.s32 $0xFFFFFFFF, s11;
	s14 =	sshll.u32 @!p0 s10, $0x8;
	s13 =	sshll.u32 @!p0 s13, $0xE  }
0x17: {  	s15 =	simm.s32 @!p0 $0x0;
	s14 =	sadd.s32 @!p0 s3, s14;
	s13 =	sand.u32 @!p0 $0x4000, s13  }
0x18: {  	[tilespmem:s13], [sflag:$0x1] =	stream.linear.gather @!p0 [hbm4b:s14+s15], $0x4000, $0x38;
	[tilespmem:$0x10000] =	vst v63  }
0x19: {  	p0 =	sge.u32 s31, s6  }
.Ltmp2:
0x1a: {  	_ = 	snop;
	(pc) =	sbr.rel @p0 .LBB1_9-.Ltmp2, $1  }
0x1b: {  	_ =	sdelay $0x3  }
0x1c: {  	s13 =	sshll.u32 s9, $0x2;
	_ =	swait.ge [sflag:s5], $0x4000;
	s14 =	sshll.u32 s11, $0xE  }
0x1d: {  	s16 =	simm.s32 $0x0;
	s17 =	simm.s32 $0x0;
	s15 =	sand.u32 $0x10000, s13  }
0x1e: {  	[sflag:s5] =	ssyncset.done $0x0;
	s31 =	sand.u32 $0x4000, s14;
	s14 =	sshrl.u32 s15, $0x2  }
0x1f: {  	[sflag:s5] =	ssyncadd.s32 $0xFFFFC000;
	s13 =	sor.u32 $0x8000, s31;
	s15 =	sor.u32 $0x8000, s14  }
.LBB1_3:
0x20: {  	s18 =	sshra.s32 s16, $0x2  }
0x21: {  	v0 =	vmov s18;
	_ =	sdelay $0x3  }
0x22: {  	p1 =	por $0x1, $0x1;
	s18 =	simm.s32 $0x0  }
.LBB1_4:
0x23: {  	_ = 	snop  }
0x24: {  	s19 =	sshll.u32 s18, $0xA  }
0x25: {  	s19 =	sand.u32 $0x3FFFFC00, s19  }
0x26: {  	s19 =	sadd.s32 s19, s14  }
0x27: {  	v5 =	vld.idx.msk [tilespmem:v0+s19+$0x70 ss:$0x1], $0xffff  }
0x28: {  	v6 =	vld.idx.msk [tilespmem:v0+s19+$0x10 ss:$0x1], $0xffff  }
0x29: {  	v7 =	vld.idx.msk [tilespmem:v0+s19+$0x20 ss:$0x1], $0xffff  }
0x2a: {  	s31 =	sshll.u32 s18, $0x7;
	v1 =	vld.idx.msk [tilespmem:v0+s19+$0x30 ss:$0x1], $0xffff  }
0x2b: {  	s18 =	sand.u32 $0x3FFFFF80, s31;
	v2 =	vld.idx.msk [tilespmem:v0+s19+$0x40 ss:$0x1], $0xffff  }
0x2c: {  	s18 =	sadd.s32 s18, s15;
	v3 =	vld.idx.msk [tilespmem:v0+s19+$0x50 ss:$0x1], $0xffff  }
0x2d: {  	v4 =	vld.idx.msk [tilespmem:v0+s19+$0x60 ss:$0x1], $0xffff;
	[tilespmem:v0+s18+$0x70 ss:$0x1] =	vst.idx.msk $0xffff, v5  }
0x2e: {  	v5 =	vld.idx.msk [tilespmem:v0+s19+$0x0 ss:$0x1], $0xffff;
	[tilespmem:v0+s18+$0x10 ss:$0x1] =	vst.idx.msk $0xffff, v6;
	s19 =	sadd.s32 $0x80, s19  }
0x2f: {  	p0 =	por p1, p1;
	s20 =	simm.s32 $0x6;
	[tilespmem:v0+s18+$0x20 ss:$0x1] =	vst.idx.msk $0xffff, v7;
	v6 =	vld.idx.msk [tilespmem:v0+s19+$0x70 ss:$0x1], $0xffff  }
.LBB1_5:
0x30: {  	p1 =	sne.s32 s20, $0x1;
	v7 =	vld.idx.msk [tilespmem:v0+s19+$0x10 ss:$0x1], $0xffff;
	[tilespmem:v0+s18+$0x30 ss:$0x1] =	vst.idx.msk $0xffff, v1  }
0x31: {  	v8 =	vld.idx.msk [tilespmem:v0+s19+$0x20 ss:$0x1], $0xffff;
	[tilespmem:v0+s18+$0x40 ss:$0x1] =	vst.idx.msk $0xffff, v2  }
0x32: {  	v1 =	vld.idx.msk [tilespmem:v0+s19+$0x30 ss:$0x1], $0xffff;
	[tilespmem:v0+s18+$0x50 ss:$0x1] =	vst.idx.msk $0xffff, v3  }
.Ltmp3:
0x33: {  	v2 =	vld.idx.msk [tilespmem:v0+s19+$0x40 ss:$0x1], $0xffff;
	[tilespmem:v0+s18+$0x60 ss:$0x1] =	vst.idx.msk $0xffff, v4;
	(pc) =	sbr.rel @p1 .LBB1_5-.Ltmp3, $4  }
0x34: {  	v3 =	vld.idx.msk [tilespmem:v0+s19+$0x50 ss:$0x1], $0xffff;
	[tilespmem:v0+s18+$0x0 ss:$0x1] =	vst.idx.msk $0xffff, v5;
	s18 =	sadd.s32 $0x100, s18  }
0x35: {  	v4 =	vld.idx.msk [tilespmem:v0+s19+$0x60 ss:$0x1], $0xffff;
	[tilespmem:v0+s18+$0x70 ss:$0x1] =	vst.idx.msk $0xffff, v6  }
0x36: {  	v5 =	vld.idx.msk [tilespmem:v0+s19+$0x0 ss:$0x1], $0xffff;
	[tilespmem:v0+s18+$0x10 ss:$0x1] =	vst.idx.msk $0xffff, v7;
	s19 =	sadd.s32 $0x80, s19  }
0x37: {  	s20 =	sadd.s32 $0xFFFFFFFF, s20;
	v6 =	vld.idx.msk [tilespmem:v0+s19+$0x70 ss:$0x1], $0xffff;
	[tilespmem:v0+s18+$0x20 ss:$0x1] =	vst.idx.msk $0xffff, v8  }
0x38: {  	_ =	sdelay $0x3  }
0x39: {  	[tilespmem:v0+s18+$0x30 ss:$0x1] =	vst.idx.msk $0xffff, v1  }
0x3a: {  	v1 =	vld.idx.msk [tilespmem:v0+s19+$0x10 ss:$0x1], $0xffff;
	[tilespmem:v0+s18+$0x40 ss:$0x1] =	vst.idx.msk $0xffff, v2  }
0x3b: {  	v2 =	vld.idx.msk [tilespmem:v0+s19+$0x20 ss:$0x1], $0xffff;
	[tilespmem:v0+s18+$0x50 ss:$0x1] =	vst.idx.msk $0xffff, v3  }
0x3c: {  	v61 =	vld.idx.msk [tilespmem:v0+s19+$0x40 ss:$0x1], $0xffff;
	[tilespmem:v0+s18+$0x60 ss:$0x1] =	vst.idx.msk $0xffff, v4  }
0x3d: {  	s31 =	sadd.s32 $0x100, s18;
	v62 =	vld.idx.msk [tilespmem:v0+s19+$0x50 ss:$0x1], $0xffff;
	[tilespmem:v0+s18+$0x0 ss:$0x1] =	vst.idx.msk $0xffff, v5  }
0x3e: {  	v63 =	vld.idx.msk [tilespmem:v0+s19+$0x60 ss:$0x1], $0xffff;
	[tilespmem:v0+s31+$0x70 ss:$0x1] =	vst.idx.msk $0xffff, v6  }
0x3f: {  	v3 =	vld.idx.msk [tilespmem:v0+s19+$0x30 ss:$0x1], $0xffff;
	[tilespmem:v0+s31+$0x10 ss:$0x1] =	vst.idx.msk $0xffff, v1  }
0x40: {  	v1 =	vld.idx.msk [tilespmem:v0+s19+$0x0 ss:$0x1], $0xffff;
	[tilespmem:v0+s31+$0x20 ss:$0x1] =	vst.idx.msk $0xffff, v2  }
.Ltmp4:
0x41: {  	[tilespmem:v0+s31+$0x40 ss:$0x1] =	vst.idx.msk $0xffff, v61;
	(pc) =	sbr.rel @p0 .LBB1_4-.Ltmp4, $4  }
0x42: {  	[tilespmem:v0+s31+$0x50 ss:$0x1] =	vst.idx.msk $0xffff, v62  }
0x43: {  	[tilespmem:v0+s31+$0x60 ss:$0x1] =	vst.idx.msk $0xffff, v63  }
0x44: {  	[tilespmem:v0+s31+$0x30 ss:$0x1] =	vst.idx.msk $0xffff, v3  }
0x45: {  	p1 =	por $0x0, $0x0;
	s18 =	simm.s32 $0x1;
	[tilespmem:v0+s31+$0x0 ss:$0x1] =	vst.idx.msk $0xffff, v1  }
0x46: {  	s17 =	sadd.s32 $0x1, s17  }
0x47: {  	p0 =	sne.s32 s17, $0x8  }
.Ltmp5:
0x48: {  	_ = 	snop;
	(pc) =	sbr.rel @p0 .LBB1_3-.Ltmp5, $2  }
0x49: {  	_ =	sdelay $0x2  }
0x4a: {  	s16 =	sadd.s32 $0x2000, s16  }
.Ltmp6:
0x4b: {  	(pc) =	sbr.rel .LBB1_9-.Ltmp6, $4  }
0x4c: {  	_ = 	snop  }
0x4d: {  	s12 =	sshll.u32 s12, $0x8  }
0x4e: {  	s12 =	sadd.s32 s4, s12  }
0x4f: {  	[hbm4b:s12+s8] =	stream.linear.scatter [tilespmem:s13], [sflag:$0x2], $0x4000, $0x38;
	[tilespmem:$0x10000] =	vst v63  }
.LBB1_10:
0x50: {  	_ =	sfence.sel $0x180000  }
0x51: {  	s2 =	simm.s32 $0x1;
	[bflag:$0x0] =	sbarrier.arrive $0xFFFF  }
0x52: {  	s31 =	simm.s32 $0x2;
	[sflag:s2] =	ssyncpa.u1 $0x1  }
0x53: {  	[sflag:s31] =	ssyncpa.u1 $0x1  }
0x54: {  	p0 =	sne.s32 s0, $0x0;
	_ =	strace $0x90000047  }
0x55: {  	s0 =	sadd.s32 @!p0 $0x100000, s1;
	[bflag:$0x2] =	sbarrier.arrive $0xFFFF  }
0x56: {  	[sflag:s0] =	ssyncadd.tile.s32 @!p0 $0x1;
	_ =	shalt  }
.Lfunc_end1:
_tile_overlayer_lowered:
.L_overlay_start_2:
0x57: {  	(tag) =	ssettag $0x2  }
0x58: {  	s0 =	rddreg [dreg:$0x0];
	s2 =	stileid.u32  }
0x59: {  	s1 =	rddreg [dreg:$0x1];
	p0 =	sne.s32 s2, $0x0  }
0x5a: {  	s3 =	rddreg [dreg:$0x2];
	[bflag:$0x3] =	sbarrier.arrive $0xFFFF;
	s2 =	simm.s32 @!p0 $0x1C01  }
0x5b: {  	[timem:s3], [sflag:s2] =	dma.local @!p0 [hbm:s0], s1  }
0x5c: {  	s0 =	simm.s32 @!p0 $0x1  }
0x5d: {  	_ =	swait.ge @!p0 [sflag:s0], s1  }
0x5e: {  	s1 =	ssub.s32 @!p0 $0x0, s1;
	[sflag:s0] =	ssyncset.done @!p0 $0x0  }
0x5f: {  	[sflag:s0] =	ssyncadd.s32 @!p0 s1  }
0x60: {  	[bflag:$0x3] =	sbarrier.arrive $0xFFFF  }
0x61: {  	_ =	shalt  }

</sc_bundles>
